<compile_context>
chip_gen: v7x
topology: tpu7x:2x2x1
jax: 0.10.2.dev20260603
libtpu: 0.0.44.dev20260713+nightly
codegen_flags: <defaults>
</compile_context>

<pallas_src>
import functools

import jax
import jax.numpy as jnp
from jax import lax
from jax.experimental import pallas as pl
from jax.experimental.pallas import tpu as pltpu
from jax.experimental.pallas import tpu_sc as plsc

N = 10000
E = 320000
IN_CH = 128
HID = 64

NC = 2
NS = 16
NW = NC * NS
EPW = E // NW
C = 80
NCH = EPW // C
NP = 10240
ZROWS = NP // NW

_mesh = plsc.VectorSubcoreMesh(core_axis_name="c", subcore_axis_name="s")


@functools.partial(
    pl.kernel,
    mesh=_mesh,
    out_type=jax.ShapeDtypeStruct((NC, NP, 16), jnp.float32),
    scratch_types=[
        pltpu.VMEM((NCH, C), jnp.int32),
        pltpu.VMEM((C, 16), jnp.float32),
        pltpu.VMEM_SHARED((NP, 16), jnp.float32),
    ],
)
def _deg_sc(dst_hbm, ones_hbm, z16_hbm, out_hbm, dstv, onesv, accd):
    cid = lax.axis_index("c")
    sid = lax.axis_index("s")
    wid = cid * NS + sid
    pltpu.sync_copy(dst_hbm.at[wid], dstv)
    pltpu.sync_copy(ones_hbm, onesv)
    pltpu.sync_copy(z16_hbm, accd.at[pl.ds(sid * ZROWS, ZROWS)])
    plsc.subcore_barrier()

    @pl.loop(0, NCH)
    def _(j):
        pltpu.sync_copy(onesv, accd.at[dstv.at[j]], add=True)

    plsc.subcore_barrier()
    pltpu.sync_copy(accd.at[pl.ds(sid * ZROWS, ZROWS)],
                    out_hbm.at[cid, pl.ds(sid * ZROWS, ZROWS)])


@functools.partial(
    pl.kernel,
    mesh=_mesh,
    compiler_params=pltpu.CompilerParams(use_tc_tiling_on_sc=False),
    out_type=jax.ShapeDtypeStruct((NC, NP, HID), jnp.float32),
    scratch_types=[
        pltpu.VMEM((NCH, C), jnp.int32),
        pltpu.VMEM((NCH, C), jnp.int32),
        pltpu.VMEM((C, HID), jnp.float32),
        pltpu.VMEM((C, HID), jnp.float32),
        pltpu.VMEM_SHARED((NP, HID), jnp.float32),
        pltpu.SemaphoreType.DMA,
        pltpu.SemaphoreType.DMA,
    ],
)
def _agg_sc(g_hbm, src_hbm, dst_hbm, z64_hbm, out_hbm, srcv, dstv, rows_a, rows_b,
            acc, gsa, gsb):
    cid = lax.axis_index("c")
    sid = lax.axis_index("s")
    wid = cid * NS + sid
    pltpu.sync_copy(src_hbm.at[wid], srcv)
    pltpu.sync_copy(dst_hbm.at[wid], dstv)
    pltpu.sync_copy(z64_hbm, acc.at[pl.ds(sid * ZROWS, ZROWS)])
    plsc.subcore_barrier()

    def g_start(j, buf, sem):
        pltpu.async_copy(g_hbm.at[srcv.at[j]], buf, sem)

    def g_wait(j, buf, sem):
        pltpu.make_async_copy(g_hbm.at[srcv.at[j]], buf, sem).wait()

    g_start(0, rows_a, gsa)
    g_wait(0, rows_a, gsa)

    @pl.loop(0, NCH - 1, step=2)
    def _(j):
        pltpu.sync_copy(rows_a, acc.at[dstv.at[j]], add=True)
        pltpu.sync_copy(rows_b, acc.at[dstv.at[j + 1]], add=True)

    pltpu.sync_copy(rows_a, acc.at[dstv.at[NCH - 1]], add=True)
    plsc.subcore_barrier()
    pltpu.sync_copy(acc.at[pl.ds(sid * ZROWS, ZROWS)],
                    out_hbm.at[cid, pl.ds(sid * ZROWS, ZROWS)])


def _tch_body(x_ref, w_ref, h_ref):
    h_ref[...] = jnp.dot(x_ref[...], w_ref[...],
                         preferred_element_type=jnp.float32)


def _tc1_body(degp_ref, h_ref, dinv_ref, g_ref):
    d = degp_ref[...]
    deg = 1.0 + d[0, :, 0:1] + d[1, :, 0:1]
    dinv = lax.rsqrt(deg)
    dinv_ref[...] = dinv
    g_ref[...] = h_ref[...] * dinv


def _tcmid_body(accp_ref, g_ref, dinv_ref, b_ref, w_ref, gout_ref):
    a = accp_ref[...]
    dinv = dinv_ref[...]
    y = jnp.maximum((a[0] + a[1] + g_ref[...]) * dinv + b_ref[...], 0.0)
    gout_ref[...] = jnp.dot(y, w_ref[...], preferred_element_type=jnp.float32) * dinv


def _tcfin_body(accp_ref, g_ref, dinv_ref, b_ref, wo_ref, bo_ref, out_ref):
    a = accp_ref[...]
    y = jnp.maximum((a[0] + a[1] + g_ref[...]) * dinv_ref[...] + b_ref[...], 0.0)
    out_ref[...] = jnp.dot(y, wo_ref[...], preferred_element_type=jnp.float32) + bo_ref[...]


def _tch(xp, W1):
    return pl.pallas_call(
        _tch_body,
        out_shape=jax.ShapeDtypeStruct((NP, HID), jnp.float32),
    )(xp, W1)


def _tc1(degp, h1):
    return pl.pallas_call(
        _tc1_body,
        out_shape=(jax.ShapeDtypeStruct((NP, 1), jnp.float32),
                   jax.ShapeDtypeStruct((NP, HID), jnp.float32)),
    )(degp, h1)


def _tcmid(accp, g, dinv, b, W):
    return pl.pallas_call(
        _tcmid_body,
        out_shape=jax.ShapeDtypeStruct((NP, HID), jnp.float32),
    )(accp, g, dinv, b, W)


def _tcfin(accp, g, dinv, b, Wo, bo):
    return pl.pallas_call(
        _tcfin_body,
        out_shape=jax.ShapeDtypeStruct((NP, 1), jnp.float32),
    )(accp, g, dinv, b, Wo, bo)


def kernel(x, edge_index, W1, b1, W2, b2, W3, b3, Wo, bo):
    ei = edge_index.astype(jnp.int32)
    src = ei[0].reshape(NW, NCH, C)
    dst = ei[1].reshape(NW, NCH, C)
    xp = jnp.pad(x, ((0, NP - N), (0, 0)))
    z16 = jnp.zeros((ZROWS, 16), jnp.float32)
    z64 = jnp.zeros((ZROWS, HID), jnp.float32)
    ones16 = jnp.ones((C, 16), jnp.float32)

    degp = _deg_sc(dst, ones16, z16)
    h1 = _tch(xp, W1)
    dinv, g1 = _tc1(degp, h1)
    acc1 = _agg_sc(g1, src, dst, z64)
    g2 = _tcmid(acc1, g1, dinv, b1.reshape(1, HID), W2)
    acc2 = _agg_sc(g2, src, dst, z64)
    g3 = _tcmid(acc2, g2, dinv, b2.reshape(1, HID), W3)
    acc3 = _agg_sc(g3, src, dst, z64)
    out = _tcfin(acc3, g3, dinv, b3.reshape(1, HID), Wo, bo.reshape(1, 1))
    return out[:N, 0]

# --- scband reference (transcript-rebuilt; emitter-appended) ---
"""Pipeline reference for scband-gcnnode-regressor-67044439491025 (READ-ONLY COPY).

The authoritative reference and input builder live on the scoring server;
editing this copy changes nothing except your own understanding.
"""

import jax, jax.numpy as jnp
import numpy as np

N_NODES = 10000
N_EDGES = 320000
IN_CH = 128
HID = 64
OUT_CH = 1


def gcn_layer(x, edge_index, W, b):
    # PyG GCNConv (default): add self-loops, symmetric D^-1/2 (A+I) D^-1/2 normalization
    N = x.shape[0]
    loop = jnp.arange(N, dtype=edge_index.dtype)
    src = jnp.concatenate([edge_index[0], loop])
    dst = jnp.concatenate([edge_index[1], loop])
    deg = jnp.zeros((N,), x.dtype).at[dst].add(1.0)
    dinv = jnp.where(deg > 0, 1.0 / jnp.sqrt(deg), 0.0)
    norm = dinv[src] * dinv[dst]
    h = x @ W
    msgs = h[src] * norm[:, None]
    out = jnp.zeros((N, W.shape[1]), x.dtype).at[dst].add(msgs)
    return out + b


def setup_inputs(seed: int = 0) -> dict:
    key = jax.random.key(seed)
    ks = jax.random.split(key, 12)
    x = jax.random.normal(ks[0], (N_NODES, IN_CH), dtype=jnp.float32)
    edge_index = jax.random.randint(ks[1], (2, N_EDGES), 0, N_NODES, dtype=jnp.int32).astype(jnp.int64)
    W1 = jax.random.normal(ks[2], (IN_CH, HID), dtype=jnp.float32) * (1.0 / np.sqrt(IN_CH))
    b1 = jnp.zeros((HID,), dtype=jnp.float32)
    W2 = jax.random.normal(ks[3], (HID, HID), dtype=jnp.float32) * (1.0 / np.sqrt(HID))
    b2 = jnp.zeros((HID,), dtype=jnp.float32)
    W3 = jax.random.normal(ks[4], (HID, HID), dtype=jnp.float32) * (1.0 / np.sqrt(HID))
    b3 = jnp.zeros((HID,), dtype=jnp.float32)
    Wo = jax.random.normal(ks[5], (HID, OUT_CH), dtype=jnp.float32) * (1.0 / np.sqrt(HID))
    bo = jnp.zeros((OUT_CH,), dtype=jnp.float32)
    return {"x": x, "edge_index": edge_index, "W1": W1, "b1": b1, "W2": W2, "b2": b2, "W3": W3, "b3": b3, "Wo": Wo, "bo": bo}


def reference(x, edge_index, W1, b1, W2, b2, W3, b3, Wo, bo):
    # eval mode: dropout is identity
    h = jax.nn.relu(gcn_layer(x, edge_index, W1, b1))
    h = jax.nn.relu(gcn_layer(h, edge_index, W2, b2))
    h = jax.nn.relu(gcn_layer(h, edge_index, W3, b3))
    out = (h @ Wo + bo)
    return jnp.squeeze(out, axis=-1)

if __name__ == "__main__":
    import jax
    _d = setup_inputs()
    print(jax.jit(kernel)(*tuple(_d.values())))

</pallas_src>

<mosaic_0001>
#map = affine_map<(d0, d1) -> (0, 0)>
#map1 = affine_map<(d0, d1) -> (0, 0, 0)>
module attributes {stable_mosaic.version = 14 : i64} {
  func.func @_agg_sc(%arg0: i32, %arg1: i32, %arg2: memref<10240x64xf32, #tpu.memory_space<hbm>>, %arg3: memref<32x125x80xi32, #tpu.memory_space<hbm>>, %arg4: memref<32x125x80xi32, #tpu.memory_space<hbm>>, %arg5: memref<320x64xf32, #tpu.memory_space<hbm>>, %arg6: memref<2x10240x64xf32, #tpu.memory_space<hbm>>, %arg7: memref<125x80xi32, #tpu.memory_space<vmem>>, %arg8: memref<125x80xi32, #tpu.memory_space<vmem>>, %arg9: memref<80x64xf32, #tpu.memory_space<vmem>>, %arg10: memref<80x64xf32, #tpu.memory_space<vmem>>, %arg11: memref<10240x64xf32, #tpu.memory_space<vmem_shared>>, %arg12: memref<!tpu.dma_semaphore, #tpu.memory_space<semaphore_mem>>, %arg13: memref<!tpu.dma_semaphore, #tpu.memory_space<semaphore_mem>>) attributes {dimension_semantics = [#tpu.dimension_semantics<core_parallel>, #tpu.dimension_semantics<subcore_parallel>], iteration_bounds = array<i64: 2, 16>, scalar_prefetch = 0 : i64, scratch_operands = 7 : i64, tpu.core_type = #tpu.core_type<sc_vector_subcore>, window_params = [{transform_indices = #map}, {transform_indices = #map1}, {transform_indices = #map1}, {transform_indices = #map}, {transform_indices = #map1}]} {
    %mul3A = arith.constant 16 : i32
    %mul3A_0 = arith.muli %arg0, %mul3A : i32
    %add3A = arith.addi %mul3A_0, %arg1 : i32
    "tpu.region"() ({
      %run_scoped3A_24 = tpu.sem_alloc : memref<!tpu.dma_semaphore, #tpu.memory_space<semaphore_mem>>
      %dma_start3A_25 = arith.constant 0 : i32
      %dma_start3A_26 = arith.constant 0 : i32
      %dma_start3A_27 = tpu.memref_slice %arg3[%add3A, %dma_start3A_25, %dma_start3A_26] : memref<32x125x80xi32, #tpu.memory_space<hbm>> -> memref<1x125x80xi32, #tpu.memory_space<hbm>>
      %dma_start3A_28 = tpu.memref_squeeze %dma_start3A_27 : memref<1x125x80xi32, #tpu.memory_space<hbm>> -> memref<125x80xi32, #tpu.memory_space<hbm>>
      %dma_start3A_29 = arith.constant 0 : i32
      %dma_start3A_30 = arith.constant 0 : i32
      %dma_start3A_31 = tpu.memref_slice %arg3[%add3A, %dma_start3A_29, %dma_start3A_30] : memref<32x125x80xi32, #tpu.memory_space<hbm>> -> memref<1x125x80xi32, #tpu.memory_space<hbm>>
      %dma_start3A_32 = tpu.memref_squeeze %dma_start3A_31 : memref<1x125x80xi32, #tpu.memory_space<hbm>> -> memref<125x80xi32, #tpu.memory_space<hbm>>
      tpu.enqueue_dma source(%dma_start3A_32 : memref<125x80xi32, #tpu.memory_space<hbm>>) target(%arg7 : memref<125x80xi32, #tpu.memory_space<vmem>>) target_semaphore(%run_scoped3A_24 : memref<!tpu.dma_semaphore, #tpu.memory_space<semaphore_mem>>)
      %dma_wait3A_33 = arith.constant 0 : i32
      %dma_wait3A_34 = arith.constant 0 : i32
      %dma_wait3A_35 = tpu.memref_slice %arg3[%add3A, %dma_wait3A_33, %dma_wait3A_34] : memref<32x125x80xi32, #tpu.memory_space<hbm>> -> memref<1x125x80xi32, #tpu.memory_space<hbm>>
      %dma_wait3A_36 = tpu.memref_squeeze %dma_wait3A_35 : memref<1x125x80xi32, #tpu.memory_space<hbm>> -> memref<125x80xi32, #tpu.memory_space<hbm>>
      %dma_wait3A_37 = arith.constant 0 : i32
      %dma_wait3A_38 = arith.constant 0 : i32
      %dma_wait3A_39 = tpu.memref_slice %arg3[%add3A, %dma_wait3A_37, %dma_wait3A_38] : memref<32x125x80xi32, #tpu.memory_space<hbm>> -> memref<1x125x80xi32, #tpu.memory_space<hbm>>
      %dma_wait3A_40 = tpu.memref_squeeze %dma_wait3A_39 : memref<1x125x80xi32, #tpu.memory_space<hbm>> -> memref<125x80xi32, #tpu.memory_space<hbm>>
      tpu.wait_dma2 semaphore(%run_scoped3A_24 : memref<!tpu.dma_semaphore, #tpu.memory_space<semaphore_mem>>) src(%dma_wait3A_40 : memref<125x80xi32, #tpu.memory_space<hbm>>) dst(%arg7 : memref<125x80xi32, #tpu.memory_space<vmem>>)
      tpu.yield
    }) : () -> ()
    "tpu.region"() ({
      %run_scoped3A_24 = tpu.sem_alloc : memref<!tpu.dma_semaphore, #tpu.memory_space<semaphore_mem>>
      %dma_start3A_25 = arith.constant 0 : i32
      %dma_start3A_26 = arith.constant 0 : i32
      %dma_start3A_27 = tpu.memref_slice %arg4[%add3A, %dma_start3A_25, %dma_start3A_26] : memref<32x125x80xi32, #tpu.memory_space<hbm>> -> memref<1x125x80xi32, #tpu.memory_space<hbm>>
      %dma_start3A_28 = tpu.memref_squeeze %dma_start3A_27 : memref<1x125x80xi32, #tpu.memory_space<hbm>> -> memref<125x80xi32, #tpu.memory_space<hbm>>
      %dma_start3A_29 = arith.constant 0 : i32
      %dma_start3A_30 = arith.constant 0 : i32
      %dma_start3A_31 = tpu.memref_slice %arg4[%add3A, %dma_start3A_29, %dma_start3A_30] : memref<32x125x80xi32, #tpu.memory_space<hbm>> -> memref<1x125x80xi32, #tpu.memory_space<hbm>>
      %dma_start3A_32 = tpu.memref_squeeze %dma_start3A_31 : memref<1x125x80xi32, #tpu.memory_space<hbm>> -> memref<125x80xi32, #tpu.memory_space<hbm>>
      tpu.enqueue_dma source(%dma_start3A_32 : memref<125x80xi32, #tpu.memory_space<hbm>>) target(%arg8 : memref<125x80xi32, #tpu.memory_space<vmem>>) target_semaphore(%run_scoped3A_24 : memref<!tpu.dma_semaphore, #tpu.memory_space<semaphore_mem>>)
      %dma_wait3A_33 = arith.constant 0 : i32
      %dma_wait3A_34 = arith.constant 0 : i32
      %dma_wait3A_35 = tpu.memref_slice %arg4[%add3A, %dma_wait3A_33, %dma_wait3A_34] : memref<32x125x80xi32, #tpu.memory_space<hbm>> -> memref<1x125x80xi32, #tpu.memory_space<hbm>>
      %dma_wait3A_36 = tpu.memref_squeeze %dma_wait3A_35 : memref<1x125x80xi32, #tpu.memory_space<hbm>> -> memref<125x80xi32, #tpu.memory_space<hbm>>
      %dma_wait3A_37 = arith.constant 0 : i32
      %dma_wait3A_38 = arith.constant 0 : i32
      %dma_wait3A_39 = tpu.memref_slice %arg4[%add3A, %dma_wait3A_37, %dma_wait3A_38] : memref<32x125x80xi32, #tpu.memory_space<hbm>> -> memref<1x125x80xi32, #tpu.memory_space<hbm>>
      %dma_wait3A_40 = tpu.memref_squeeze %dma_wait3A_39 : memref<1x125x80xi32, #tpu.memory_space<hbm>> -> memref<125x80xi32, #tpu.memory_space<hbm>>
      tpu.wait_dma2 semaphore(%run_scoped3A_24 : memref<!tpu.dma_semaphore, #tpu.memory_space<semaphore_mem>>) src(%dma_wait3A_40 : memref<125x80xi32, #tpu.memory_space<hbm>>) dst(%arg8 : memref<125x80xi32, #tpu.memory_space<vmem>>)
      tpu.yield
    }) : () -> ()
    %mul3A_1 = arith.constant 320 : i32
    %mul3A_2 = arith.muli %arg1, %mul3A_1 : i32
    "tpu.region"() ({
      %run_scoped3A_24 = tpu.sem_alloc : memref<!tpu.dma_semaphore, #tpu.memory_space<semaphore_mem>>
      %dma_start3A_25 = arith.constant 0 : i32
      %dma_start3A_26 = tpu.memref_slice %arg11[%mul3A_2, %dma_start3A_25] : memref<10240x64xf32, #tpu.memory_space<vmem_shared>> -> memref<320x64xf32, #tpu.memory_space<vmem_shared>>
      tpu.enqueue_dma source(%arg5 : memref<320x64xf32, #tpu.memory_space<hbm>>) target(%dma_start3A_26 : memref<320x64xf32, #tpu.memory_space<vmem_shared>>) target_semaphore(%run_scoped3A_24 : memref<!tpu.dma_semaphore, #tpu.memory_space<semaphore_mem>>)
      %dma_wait3A_27 = arith.constant 0 : i32
      %dma_wait3A_28 = tpu.memref_slice %arg11[%mul3A_2, %dma_wait3A_27] : memref<10240x64xf32, #tpu.memory_space<vmem_shared>> -> memref<320x64xf32, #tpu.memory_space<vmem_shared>>
      tpu.wait_dma2 semaphore(%run_scoped3A_24 : memref<!tpu.dma_semaphore, #tpu.memory_space<semaphore_mem>>) src(%arg5 : memref<320x64xf32, #tpu.memory_space<hbm>>) dst(%dma_wait3A_28 : memref<320x64xf32, #tpu.memory_space<vmem_shared>>)
      tpu.yield
    }) : () -> ()
    %barrier3A = arith.constant 0 : index
    tpu.barrier barrier_id(%barrier3A)
    %dma_start3A = arith.constant 0 : i32
    %dma_start3A_3 = arith.constant 0 : i32
    %dma_start3A_4 = tpu.memref_slice %arg7[%dma_start3A, %dma_start3A_3] : memref<125x80xi32, #tpu.memory_space<vmem>> -> memref<1x80xi32, #tpu.memory_space<vmem>>
    %dma_start3A_5 = tpu.memref_squeeze %dma_start3A_4 : memref<1x80xi32, #tpu.memory_space<vmem>> -> memref<80xi32, #tpu.memory_space<vmem>>
    %dma_start3A_6 = arith.constant 0 : i32
    %dma_start3A_7 = arith.constant 0 : i32
    %dma_start3A_8 = tpu.memref_slice %arg2[%dma_start3A_6, %dma_start3A_7] : memref<10240x64xf32, #tpu.memory_space<hbm>> -> memref<10240x64xf32, #tpu.memory_space<hbm>>
    tpu.enqueue_indirect_dma source(%dma_start3A_8 : memref<10240x64xf32, #tpu.memory_space<hbm>>) target(%arg9 : memref<80x64xf32, #tpu.memory_space<vmem>>) offsets(%dma_start3A_5 : memref<80xi32, #tpu.memory_space<vmem>>) semaphore(%arg12 : memref<!tpu.dma_semaphore, #tpu.memory_space<semaphore_mem>>)
    %dma_wait3A = arith.constant 0 : i32
    %dma_wait3A_9 = arith.constant 0 : i32
    %dma_wait3A_10 = tpu.memref_slice %arg7[%dma_wait3A, %dma_wait3A_9] : memref<125x80xi32, #tpu.memory_space<vmem>> -> memref<1x80xi32, #tpu.memory_space<vmem>>
    %dma_wait3A_11 = tpu.memref_squeeze %dma_wait3A_10 : memref<1x80xi32, #tpu.memory_space<vmem>> -> memref<80xi32, #tpu.memory_space<vmem>>
    %dma_wait3A_12 = arith.constant 0 : i32
    %dma_wait3A_13 = arith.constant 0 : i32
    %dma_wait3A_14 = tpu.memref_slice %arg2[%dma_wait3A_12, %dma_wait3A_13] : memref<10240x64xf32, #tpu.memory_space<hbm>> -> memref<10240x64xf32, #tpu.memory_space<hbm>>
    tpu.wait_indirect_dma semaphore(%arg12 : memref<!tpu.dma_semaphore, #tpu.memory_space<semaphore_mem>>) src(%dma_wait3A_14 : memref<10240x64xf32, #tpu.memory_space<hbm>>) dst(%arg9 : memref<80x64xf32, #tpu.memory_space<vmem>>)
    %scan3A = arith.constant 0 : i32
    %scan3A_15 = arith.constant 62 : i32
    %scan3A_16 = arith.addi %scan3A, %scan3A_15 : i32
    %scan3A_17 = arith.constant 1 : i32
    scf.for %scan3A_24 = %scan3A to %scan3A_16 step %scan3A_17  : i32 {
      %mul3A_25 = arith.constant 2 : i32
      %mul3A_26 = arith.muli %scan3A_24, %mul3A_25 : i32
      %add3A_27 = arith.constant 0 : i32
      %add3A_28 = arith.addi %add3A_27, %mul3A_26 : i32
      "tpu.region"() ({
        %run_scoped3A_31 = tpu.sem_alloc : memref<!tpu.dma_semaphore, #tpu.memory_space<semaphore_mem>>
        %dma_start3A_32 = arith.constant 0 : i32
        %dma_start3A_33 = tpu.memref_slice %arg8[%add3A_28, %dma_start3A_32] : memref<125x80xi32, #tpu.memory_space<vmem>> -> memref<1x80xi32, #tpu.memory_space<vmem>>
        %dma_start3A_34 = tpu.memref_squeeze %dma_start3A_33 : memref<1x80xi32, #tpu.memory_space<vmem>> -> memref<80xi32, #tpu.memory_space<vmem>>
        %dma_start3A_35 = arith.constant 0 : i32
        %dma_start3A_36 = arith.constant 0 : i32
        %dma_start3A_37 = tpu.memref_slice %arg11[%dma_start3A_35, %dma_start3A_36] : memref<10240x64xf32, #tpu.memory_space<vmem_shared>> -> memref<10240x64xf32, #tpu.memory_space<vmem_shared>>
        tpu.enqueue_indirect_dma source(%arg9 : memref<80x64xf32, #tpu.memory_space<vmem>>) target(%dma_start3A_37 : memref<10240x64xf32, #tpu.memory_space<vmem_shared>>) offsets(%dma_start3A_34 : memref<80xi32, #tpu.memory_space<vmem>>) semaphore(%run_scoped3A_31 : memref<!tpu.dma_semaphore, #tpu.memory_space<semaphore_mem>>) {add = true}
        %dma_wait3A_38 = arith.constant 0 : i32
        %dma_wait3A_39 = tpu.memref_slice %arg8[%add3A_28, %dma_wait3A_38] : memref<125x80xi32, #tpu.memory_space<vmem>> -> memref<1x80xi32, #tpu.memory_space<vmem>>
        %dma_wait3A_40 = tpu.memref_squeeze %dma_wait3A_39 : memref<1x80xi32, #tpu.memory_space<vmem>> -> memref<80xi32, #tpu.memory_space<vmem>>
        %dma_wait3A_41 = arith.constant 0 : i32
        %dma_wait3A_42 = arith.constant 0 : i32
        %dma_wait3A_43 = tpu.memref_slice %arg11[%dma_wait3A_41, %dma_wait3A_42] : memref<10240x64xf32, #tpu.memory_space<vmem_shared>> -> memref<10240x64xf32, #tpu.memory_space<vmem_shared>>
        tpu.wait_indirect_dma semaphore(%run_scoped3A_31 : memref<!tpu.dma_semaphore, #tpu.memory_space<semaphore_mem>>) src(%arg9 : memref<80x64xf32, #tpu.memory_space<vmem>>) dst(%dma_wait3A_43 : memref<10240x64xf32, #tpu.memory_space<vmem_shared>>)
        tpu.yield
      }) : () -> ()
      %add3A_29 = arith.constant 1 : i32
      %add3A_30 = arith.addi %add3A_28, %add3A_29 : i32
      "tpu.region"() ({
        %run_scoped3A_31 = tpu.sem_alloc : memref<!tpu.dma_semaphore, #tpu.memory_space<semaphore_mem>>
        %dma_start3A_32 = arith.constant 0 : i32
        %dma_start3A_33 = tpu.memref_slice %arg8[%add3A_30, %dma_start3A_32] : memref<125x80xi32, #tpu.memory_space<vmem>> -> memref<1x80xi32, #tpu.memory_space<vmem>>
        %dma_start3A_34 = tpu.memref_squeeze %dma_start3A_33 : memref<1x80xi32, #tpu.memory_space<vmem>> -> memref<80xi32, #tpu.memory_space<vmem>>
        %dma_start3A_35 = arith.constant 0 : i32
        %dma_start3A_36 = arith.constant 0 : i32
        %dma_start3A_37 = tpu.memref_slice %arg11[%dma_start3A_35, %dma_start3A_36] : memref<10240x64xf32, #tpu.memory_space<vmem_shared>> -> memref<10240x64xf32, #tpu.memory_space<vmem_shared>>
        tpu.enqueue_indirect_dma source(%arg10 : memref<80x64xf32, #tpu.memory_space<vmem>>) target(%dma_start3A_37 : memref<10240x64xf32, #tpu.memory_space<vmem_shared>>) offsets(%dma_start3A_34 : memref<80xi32, #tpu.memory_space<vmem>>) semaphore(%run_scoped3A_31 : memref<!tpu.dma_semaphore, #tpu.memory_space<semaphore_mem>>) {add = true}
        %dma_wait3A_38 = arith.constant 0 : i32
        %dma_wait3A_39 = tpu.memref_slice %arg8[%add3A_30, %dma_wait3A_38] : memref<125x80xi32, #tpu.memory_space<vmem>> -> memref<1x80xi32, #tpu.memory_space<vmem>>
        %dma_wait3A_40 = tpu.memref_squeeze %dma_wait3A_39 : memref<1x80xi32, #tpu.memory_space<vmem>> -> memref<80xi32, #tpu.memory_space<vmem>>
        %dma_wait3A_41 = arith.constant 0 : i32
        %dma_wait3A_42 = arith.constant 0 : i32
        %dma_wait3A_43 = tpu.memref_slice %arg11[%dma_wait3A_41, %dma_wait3A_42] : memref<10240x64xf32, #tpu.memory_space<vmem_shared>> -> memref<10240x64xf32, #tpu.memory_space<vmem_shared>>
        tpu.wait_indirect_dma semaphore(%run_scoped3A_31 : memref<!tpu.dma_semaphore, #tpu.memory_space<semaphore_mem>>) src(%arg10 : memref<80x64xf32, #tpu.memory_space<vmem>>) dst(%dma_wait3A_43 : memref<10240x64xf32, #tpu.memory_space<vmem_shared>>)
        tpu.yield
      }) : () -> ()
    }
    %scan3A_18 = arith.constant 62 : i32
    %run_scoped3A = arith.constant 124 : i32
    "tpu.region"() ({
      %run_scoped3A_24 = tpu.sem_alloc : memref<!tpu.dma_semaphore, #tpu.memory_space<semaphore_mem>>
      %dma_start3A_25 = arith.constant 0 : i32
      %dma_start3A_26 = tpu.memref_slice %arg8[%run_scoped3A, %dma_start3A_25] : memref<125x80xi32, #tpu.memory_space<vmem>> -> memref<1x80xi32, #tpu.memory_space<vmem>>
      %dma_start3A_27 = tpu.memref_squeeze %dma_start3A_26 : memref<1x80xi32, #tpu.memory_space<vmem>> -> memref<80xi32, #tpu.memory_space<vmem>>
      %dma_start3A_28 = arith.constant 0 : i32
      %dma_start3A_29 = arith.constant 0 : i32
      %dma_start3A_30 = tpu.memref_slice %arg11[%dma_start3A_28, %dma_start3A_29] : memref<10240x64xf32, #tpu.memory_space<vmem_shared>> -> memref<10240x64xf32, #tpu.memory_space<vmem_shared>>
      tpu.enqueue_indirect_dma source(%arg9 : memref<80x64xf32, #tpu.memory_space<vmem>>) target(%dma_start3A_30 : memref<10240x64xf32, #tpu.memory_space<vmem_shared>>) offsets(%dma_start3A_27 : memref<80xi32, #tpu.memory_space<vmem>>) semaphore(%run_scoped3A_24 : memref<!tpu.dma_semaphore, #tpu.memory_space<semaphore_mem>>) {add = true}
      %dma_wait3A_31 = arith.constant 0 : i32
      %dma_wait3A_32 = tpu.memref_slice %arg8[%run_scoped3A, %dma_wait3A_31] : memref<125x80xi32, #tpu.memory_space<vmem>> -> memref<1x80xi32, #tpu.memory_space<vmem>>
      %dma_wait3A_33 = tpu.memref_squeeze %dma_wait3A_32 : memref<1x80xi32, #tpu.memory_space<vmem>> -> memref<80xi32, #tpu.memory_space<vmem>>
      %dma_wait3A_34 = arith.constant 0 : i32
      %dma_wait3A_35 = arith.constant 0 : i32
      %dma_wait3A_36 = tpu.memref_slice %arg11[%dma_wait3A_34, %dma_wait3A_35] : memref<10240x64xf32, #tpu.memory_space<vmem_shared>> -> memref<10240x64xf32, #tpu.memory_space<vmem_shared>>
      tpu.wait_indirect_dma semaphore(%run_scoped3A_24 : memref<!tpu.dma_semaphore, #tpu.memory_space<semaphore_mem>>) src(%arg9 : memref<80x64xf32, #tpu.memory_space<vmem>>) dst(%dma_wait3A_36 : memref<10240x64xf32, #tpu.memory_space<vmem_shared>>)
      tpu.yield
    }) : () -> ()
    %barrier3A_19 = arith.constant 0 : index
    tpu.barrier barrier_id(%barrier3A_19)
    %mul3A_20 = arith.constant 320 : i32
    %mul3A_21 = arith.muli %arg1, %mul3A_20 : i32
    %mul3A_22 = arith.constant 320 : i32
    %mul3A_23 = arith.muli %arg1, %mul3A_22 : i32
    "tpu.region"() ({
      %run_scoped3A_24 = tpu.sem_alloc : memref<!tpu.dma_semaphore, #tpu.memory_space<semaphore_mem>>
      %dma_start3A_25 = arith.constant 0 : i32
      %dma_start3A_26 = tpu.memref_slice %arg6[%arg0, %mul3A_23, %dma_start3A_25] : memref<2x10240x64xf32, #tpu.memory_space<hbm>> -> memref<1x320x64xf32, #tpu.memory_space<hbm>>
      %dma_start3A_27 = tpu.memref_squeeze %dma_start3A_26 : memref<1x320x64xf32, #tpu.memory_space<hbm>> -> memref<320x64xf32, #tpu.memory_space<hbm>>
      %dma_start3A_28 = arith.constant 0 : i32
      %dma_start3A_29 = tpu.memref_slice %arg11[%mul3A_21, %dma_start3A_28] : memref<10240x64xf32, #tpu.memory_space<vmem_shared>> -> memref<320x64xf32, #tpu.memory_space<vmem_shared>>
      tpu.enqueue_dma source(%dma_start3A_29 : memref<320x64xf32, #tpu.memory_space<vmem_shared>>) target(%dma_start3A_27 : memref<320x64xf32, #tpu.memory_space<hbm>>) target_semaphore(%run_scoped3A_24 : memref<!tpu.dma_semaphore, #tpu.memory_space<semaphore_mem>>)
      %dma_wait3A_30 = arith.constant 0 : i32
      %dma_wait3A_31 = tpu.memref_slice %arg6[%arg0, %mul3A_23, %dma_wait3A_30] : memref<2x10240x64xf32, #tpu.memory_space<hbm>> -> memref<1x320x64xf32, #tpu.memory_space<hbm>>
      %dma_wait3A_32 = tpu.memref_squeeze %dma_wait3A_31 : memref<1x320x64xf32, #tpu.memory_space<hbm>> -> memref<320x64xf32, #tpu.memory_space<hbm>>
      %dma_wait3A_33 = arith.constant 0 : i32
      %dma_wait3A_34 = tpu.memref_slice %arg11[%mul3A_21, %dma_wait3A_33] : memref<10240x64xf32, #tpu.memory_space<vmem_shared>> -> memref<320x64xf32, #tpu.memory_space<vmem_shared>>
      tpu.wait_dma2 semaphore(%run_scoped3A_24 : memref<!tpu.dma_semaphore, #tpu.memory_space<semaphore_mem>>) src(%dma_wait3A_34 : memref<320x64xf32, #tpu.memory_space<vmem_shared>>) dst(%dma_wait3A_32 : memref<320x64xf32, #tpu.memory_space<hbm>>)
      tpu.yield
    }) : () -> ()
    return
  }
}

#map = affine_map<(d0, d1) -> (0, 0, 0)>
#map1 = affine_map<(d0, d1) -> (0, 0)>
module attributes {stable_mosaic.version = 14 : i64} {
  func.func @_deg_sc(%arg0: i32, %arg1: i32, %arg2: memref<32x125x80xi32, #tpu.memory_space<hbm>>, %arg3: memref<80x16xf32, #tpu.memory_space<hbm>>, %arg4: memref<320x16xf32, #tpu.memory_space<hbm>>, %arg5: memref<2x10240x16xf32, #tpu.memory_space<hbm>>, %arg6: memref<125x80xi32, #tpu.memory_space<vmem>>, %arg7: memref<80x16xf32, #tpu.memory_space<vmem>>, %arg8: memref<10240x16xf32, #tpu.memory_space<vmem_shared>>) attributes {dimension_semantics = [#tpu.dimension_semantics<core_parallel>, #tpu.dimension_semantics<subcore_parallel>], iteration_bounds = array<i64: 2, 16>, scalar_prefetch = 0 : i64, scratch_operands = 3 : i64, tpu.core_type = #tpu.core_type<sc_vector_subcore>, window_params = [{transform_indices = #map}, {transform_indices = #map1}, {transform_indices = #map1}, {transform_indices = #map}]} {
    %mul3A = arith.constant 16 : i32
    %mul3A_0 = arith.muli %arg0, %mul3A : i32
    %add3A = arith.addi %mul3A_0, %arg1 : i32
    "tpu.region"() ({
      %run_scoped3A = tpu.sem_alloc : memref<!tpu.dma_semaphore, #tpu.memory_space<semaphore_mem>>
      %dma_start3A = arith.constant 0 : i32
      %dma_start3A_12 = arith.constant 0 : i32
      %dma_start3A_13 = tpu.memref_slice %arg2[%add3A, %dma_start3A, %dma_start3A_12] : memref<32x125x80xi32, #tpu.memory_space<hbm>> -> memref<1x125x80xi32, #tpu.memory_space<hbm>>
      %dma_start3A_14 = tpu.memref_squeeze %dma_start3A_13 : memref<1x125x80xi32, #tpu.memory_space<hbm>> -> memref<125x80xi32, #tpu.memory_space<hbm>>
      %dma_start3A_15 = arith.constant 0 : i32
      %dma_start3A_16 = arith.constant 0 : i32
      %dma_start3A_17 = tpu.memref_slice %arg2[%add3A, %dma_start3A_15, %dma_start3A_16] : memref<32x125x80xi32, #tpu.memory_space<hbm>> -> memref<1x125x80xi32, #tpu.memory_space<hbm>>
      %dma_start3A_18 = tpu.memref_squeeze %dma_start3A_17 : memref<1x125x80xi32, #tpu.memory_space<hbm>> -> memref<125x80xi32, #tpu.memory_space<hbm>>
      tpu.enqueue_dma source(%dma_start3A_18 : memref<125x80xi32, #tpu.memory_space<hbm>>) target(%arg6 : memref<125x80xi32, #tpu.memory_space<vmem>>) target_semaphore(%run_scoped3A : memref<!tpu.dma_semaphore, #tpu.memory_space<semaphore_mem>>)
      %dma_wait3A = arith.constant 0 : i32
      %dma_wait3A_19 = arith.constant 0 : i32
      %dma_wait3A_20 = tpu.memref_slice %arg2[%add3A, %dma_wait3A, %dma_wait3A_19] : memref<32x125x80xi32, #tpu.memory_space<hbm>> -> memref<1x125x80xi32, #tpu.memory_space<hbm>>
      %dma_wait3A_21 = tpu.memref_squeeze %dma_wait3A_20 : memref<1x125x80xi32, #tpu.memory_space<hbm>> -> memref<125x80xi32, #tpu.memory_space<hbm>>
      %dma_wait3A_22 = arith.constant 0 : i32
      %dma_wait3A_23 = arith.constant 0 : i32
      %dma_wait3A_24 = tpu.memref_slice %arg2[%add3A, %dma_wait3A_22, %dma_wait3A_23] : memref<32x125x80xi32, #tpu.memory_space<hbm>> -> memref<1x125x80xi32, #tpu.memory_space<hbm>>
      %dma_wait3A_25 = tpu.memref_squeeze %dma_wait3A_24 : memref<1x125x80xi32, #tpu.memory_space<hbm>> -> memref<125x80xi32, #tpu.memory_space<hbm>>
      tpu.wait_dma2 semaphore(%run_scoped3A : memref<!tpu.dma_semaphore, #tpu.memory_space<semaphore_mem>>) src(%dma_wait3A_25 : memref<125x80xi32, #tpu.memory_space<hbm>>) dst(%arg6 : memref<125x80xi32, #tpu.memory_space<vmem>>)
      tpu.yield
    }) : () -> ()
    "tpu.region"() ({
      %run_scoped3A = tpu.sem_alloc : memref<!tpu.dma_semaphore, #tpu.memory_space<semaphore_mem>>
      tpu.enqueue_dma source(%arg3 : memref<80x16xf32, #tpu.memory_space<hbm>>) target(%arg7 : memref<80x16xf32, #tpu.memory_space<vmem>>) target_semaphore(%run_scoped3A : memref<!tpu.dma_semaphore, #tpu.memory_space<semaphore_mem>>)
      tpu.wait_dma2 semaphore(%run_scoped3A : memref<!tpu.dma_semaphore, #tpu.memory_space<semaphore_mem>>) src(%arg3 : memref<80x16xf32, #tpu.memory_space<hbm>>) dst(%arg7 : memref<80x16xf32, #tpu.memory_space<vmem>>)
      tpu.yield
    }) : () -> ()
    %mul3A_1 = arith.constant 320 : i32
    %mul3A_2 = arith.muli %arg1, %mul3A_1 : i32
    "tpu.region"() ({
      %run_scoped3A = tpu.sem_alloc : memref<!tpu.dma_semaphore, #tpu.memory_space<semaphore_mem>>
      %dma_start3A = arith.constant 0 : i32
      %dma_start3A_12 = tpu.memref_slice %arg8[%mul3A_2, %dma_start3A] : memref<10240x16xf32, #tpu.memory_space<vmem_shared>> -> memref<320x16xf32, #tpu.memory_space<vmem_shared>>
      tpu.enqueue_dma source(%arg4 : memref<320x16xf32, #tpu.memory_space<hbm>>) target(%dma_start3A_12 : memref<320x16xf32, #tpu.memory_space<vmem_shared>>) target_semaphore(%run_scoped3A : memref<!tpu.dma_semaphore, #tpu.memory_space<semaphore_mem>>)
      %dma_wait3A = arith.constant 0 : i32
      %dma_wait3A_13 = tpu.memref_slice %arg8[%mul3A_2, %dma_wait3A] : memref<10240x16xf32, #tpu.memory_space<vmem_shared>> -> memref<320x16xf32, #tpu.memory_space<vmem_shared>>
      tpu.wait_dma2 semaphore(%run_scoped3A : memref<!tpu.dma_semaphore, #tpu.memory_space<semaphore_mem>>) src(%arg4 : memref<320x16xf32, #tpu.memory_space<hbm>>) dst(%dma_wait3A_13 : memref<320x16xf32, #tpu.memory_space<vmem_shared>>)
      tpu.yield
    }) : () -> ()
    %barrier3A = arith.constant 0 : index
    tpu.barrier barrier_id(%barrier3A)
    %scan3A = arith.constant 0 : i32
    %scan3A_3 = arith.constant 125 : i32
    %scan3A_4 = arith.addi %scan3A, %scan3A_3 : i32
    %scan3A_5 = arith.constant 1 : i32
    scf.for %scan3A_12 = %scan3A to %scan3A_4 step %scan3A_5  : i32 {
      %mul3A_13 = arith.constant 1 : i32
      %mul3A_14 = arith.muli %scan3A_12, %mul3A_13 : i32
      %add3A_15 = arith.constant 0 : i32
      %add3A_16 = arith.addi %add3A_15, %mul3A_14 : i32
      "tpu.region"() ({
        %run_scoped3A = tpu.sem_alloc : memref<!tpu.dma_semaphore, #tpu.memory_space<semaphore_mem>>
        %dma_start3A = arith.constant 0 : i32
        %dma_start3A_17 = tpu.memref_slice %arg6[%add3A_16, %dma_start3A] : memref<125x80xi32, #tpu.memory_space<vmem>> -> memref<1x80xi32, #tpu.memory_space<vmem>>
        %dma_start3A_18 = tpu.memref_squeeze %dma_start3A_17 : memref<1x80xi32, #tpu.memory_space<vmem>> -> memref<80xi32, #tpu.memory_space<vmem>>
        %dma_start3A_19 = arith.constant 0 : i32
        %dma_start3A_20 = arith.constant 0 : i32
        %dma_start3A_21 = tpu.memref_slice %arg8[%dma_start3A_19, %dma_start3A_20] : memref<10240x16xf32, #tpu.memory_space<vmem_shared>> -> memref<10240x16xf32, #tpu.memory_space<vmem_shared>>
        tpu.enqueue_indirect_dma source(%arg7 : memref<80x16xf32, #tpu.memory_space<vmem>>) target(%dma_start3A_21 : memref<10240x16xf32, #tpu.memory_space<vmem_shared>>) offsets(%dma_start3A_18 : memref<80xi32, #tpu.memory_space<vmem>>) semaphore(%run_scoped3A : memref<!tpu.dma_semaphore, #tpu.memory_space<semaphore_mem>>) {add = true}
        %dma_wait3A = arith.constant 0 : i32
        %dma_wait3A_22 = tpu.memref_slice %arg6[%add3A_16, %dma_wait3A] : memref<125x80xi32, #tpu.memory_space<vmem>> -> memref<1x80xi32, #tpu.memory_space<vmem>>
        %dma_wait3A_23 = tpu.memref_squeeze %dma_wait3A_22 : memref<1x80xi32, #tpu.memory_space<vmem>> -> memref<80xi32, #tpu.memory_space<vmem>>
        %dma_wait3A_24 = arith.constant 0 : i32
        %dma_wait3A_25 = arith.constant 0 : i32
        %dma_wait3A_26 = tpu.memref_slice %arg8[%dma_wait3A_24, %dma_wait3A_25] : memref<10240x16xf32, #tpu.memory_space<vmem_shared>> -> memref<10240x16xf32, #tpu.memory_space<vmem_shared>>
        tpu.wait_indirect_dma semaphore(%run_scoped3A : memref<!tpu.dma_semaphore, #tpu.memory_space<semaphore_mem>>) src(%arg7 : memref<80x16xf32, #tpu.memory_space<vmem>>) dst(%dma_wait3A_26 : memref<10240x16xf32, #tpu.memory_space<vmem_shared>>)
        tpu.yield
      }) : () -> ()
    }
    %scan3A_6 = arith.constant 125 : i32
    %barrier3A_7 = arith.constant 0 : index
    tpu.barrier barrier_id(%barrier3A_7)
    %mul3A_8 = arith.constant 320 : i32
    %mul3A_9 = arith.muli %arg1, %mul3A_8 : i32
    %mul3A_10 = arith.constant 320 : i32
    %mul3A_11 = arith.muli %arg1, %mul3A_10 : i32
    "tpu.region"() ({
      %run_scoped3A = tpu.sem_alloc : memref<!tpu.dma_semaphore, #tpu.memory_space<semaphore_mem>>
      %dma_start3A = arith.constant 0 : i32
      %dma_start3A_12 = tpu.memref_slice %arg5[%arg0, %mul3A_11, %dma_start3A] : memref<2x10240x16xf32, #tpu.memory_space<hbm>> -> memref<1x320x16xf32, #tpu.memory_space<hbm>>
      %dma_start3A_13 = tpu.memref_squeeze %dma_start3A_12 : memref<1x320x16xf32, #tpu.memory_space<hbm>> -> memref<320x16xf32, #tpu.memory_space<hbm>>
      %dma_start3A_14 = arith.constant 0 : i32
      %dma_start3A_15 = tpu.memref_slice %arg8[%mul3A_9, %dma_start3A_14] : memref<10240x16xf32, #tpu.memory_space<vmem_shared>> -> memref<320x16xf32, #tpu.memory_space<vmem_shared>>
      tpu.enqueue_dma source(%dma_start3A_15 : memref<320x16xf32, #tpu.memory_space<vmem_shared>>) target(%dma_start3A_13 : memref<320x16xf32, #tpu.memory_space<hbm>>) target_semaphore(%run_scoped3A : memref<!tpu.dma_semaphore, #tpu.memory_space<semaphore_mem>>)
      %dma_wait3A = arith.constant 0 : i32
      %dma_wait3A_16 = tpu.memref_slice %arg5[%arg0, %mul3A_11, %dma_wait3A] : memref<2x10240x16xf32, #tpu.memory_space<hbm>> -> memref<1x320x16xf32, #tpu.memory_space<hbm>>
      %dma_wait3A_17 = tpu.memref_squeeze %dma_wait3A_16 : memref<1x320x16xf32, #tpu.memory_space<hbm>> -> memref<320x16xf32, #tpu.memory_space<hbm>>
      %dma_wait3A_18 = arith.constant 0 : i32
      %dma_wait3A_19 = tpu.memref_slice %arg8[%mul3A_9, %dma_wait3A_18] : memref<10240x16xf32, #tpu.memory_space<vmem_shared>> -> memref<320x16xf32, #tpu.memory_space<vmem_shared>>
      tpu.wait_dma2 semaphore(%run_scoped3A : memref<!tpu.dma_semaphore, #tpu.memory_space<semaphore_mem>>) src(%dma_wait3A_19 : memref<320x16xf32, #tpu.memory_space<vmem_shared>>) dst(%dma_wait3A_17 : memref<320x16xf32, #tpu.memory_space<hbm>>)
      tpu.yield
    }) : () -> ()
    return
  }
}

#map = affine_map<(d0, d1) -> (0, 0)>
#map1 = affine_map<(d0, d1) -> (0, 0, 0)>
module attributes {stable_mosaic.version = 14 : i64} {
  func.func @_agg_sc(%arg0: i32, %arg1: i32, %arg2: memref<10240x64xf32, #tpu.memory_space<hbm>>, %arg3: memref<32x125x80xi32, #tpu.memory_space<hbm>>, %arg4: memref<32x125x80xi32, #tpu.memory_space<hbm>>, %arg5: memref<320x64xf32, #tpu.memory_space<hbm>>, %arg6: memref<2x10240x64xf32, #tpu.memory_space<hbm>>, %arg7: memref<125x80xi32, #tpu.memory_space<vmem>>, %arg8: memref<125x80xi32, #tpu.memory_space<vmem>>, %arg9: memref<80x64xf32, #tpu.memory_space<vmem>>, %arg10: memref<80x64xf32, #tpu.memory_space<vmem>>, %arg11: memref<10240x64xf32, #tpu.memory_space<vmem_shared>>, %arg12: memref<!tpu.dma_semaphore, #tpu.memory_space<semaphore_mem>>, %arg13: memref<!tpu.dma_semaphore, #tpu.memory_space<semaphore_mem>>) attributes {dimension_semantics = [#tpu.dimension_semantics<core_parallel>, #tpu.dimension_semantics<subcore_parallel>], iteration_bounds = array<i64: 2, 16>, scalar_prefetch = 0 : i64, scratch_operands = 7 : i64, tpu.core_type = #tpu.core_type<sc_vector_subcore>, window_params = [{transform_indices = #map}, {transform_indices = #map1}, {transform_indices = #map1}, {transform_indices = #map}, {transform_indices = #map1}]} {
    %mul3A = arith.constant 16 : i32
    %mul3A_0 = arith.muli %arg0, %mul3A : i32
    %add3A = arith.addi %mul3A_0, %arg1 : i32
    "tpu.region"() ({
      %run_scoped3A_24 = tpu.sem_alloc : memref<!tpu.dma_semaphore, #tpu.memory_space<semaphore_mem>>
      %dma_start3A_25 = arith.constant 0 : i32
      %dma_start3A_26 = arith.constant 0 : i32
      %dma_start3A_27 = tpu.memref_slice %arg3[%add3A, %dma_start3A_25, %dma_start3A_26] : memref<32x125x80xi32, #tpu.memory_space<hbm>> -> memref<1x125x80xi32, #tpu.memory_space<hbm>>
      %dma_start3A_28 = tpu.memref_squeeze %dma_start3A_27 : memref<1x125x80xi32, #tpu.memory_space<hbm>> -> memref<125x80xi32, #tpu.memory_space<hbm>>
      %dma_start3A_29 = arith.constant 0 : i32
      %dma_start3A_30 = arith.constant 0 : i32
      %dma_start3A_31 = tpu.memref_slice %arg3[%add3A, %dma_start3A_29, %dma_start3A_30] : memref<32x125x80xi32, #tpu.memory_space<hbm>> -> memref<1x125x80xi32, #tpu.memory_space<hbm>>
      %dma_start3A_32 = tpu.memref_squeeze %dma_start3A_31 : memref<1x125x80xi32, #tpu.memory_space<hbm>> -> memref<125x80xi32, #tpu.memory_space<hbm>>
      tpu.enqueue_dma source(%dma_start3A_32 : memref<125x80xi32, #tpu.memory_space<hbm>>) target(%arg7 : memref<125x80xi32, #tpu.memory_space<vmem>>) target_semaphore(%run_scoped3A_24 : memref<!tpu.dma_semaphore, #tpu.memory_space<semaphore_mem>>)
      %dma_wait3A_33 = arith.constant 0 : i32
      %dma_wait3A_34 = arith.constant 0 : i32
      %dma_wait3A_35 = tpu.memref_slice %arg3[%add3A, %dma_wait3A_33, %dma_wait3A_34] : memref<32x125x80xi32, #tpu.memory_space<hbm>> -> memref<1x125x80xi32, #tpu.memory_space<hbm>>
      %dma_wait3A_36 = tpu.memref_squeeze %dma_wait3A_35 : memref<1x125x80xi32, #tpu.memory_space<hbm>> -> memref<125x80xi32, #tpu.memory_space<hbm>>
      %dma_wait3A_37 = arith.constant 0 : i32
      %dma_wait3A_38 = arith.constant 0 : i32
      %dma_wait3A_39 = tpu.memref_slice %arg3[%add3A, %dma_wait3A_37, %dma_wait3A_38] : memref<32x125x80xi32, #tpu.memory_space<hbm>> -> memref<1x125x80xi32, #tpu.memory_space<hbm>>
      %dma_wait3A_40 = tpu.memref_squeeze %dma_wait3A_39 : memref<1x125x80xi32, #tpu.memory_space<hbm>> -> memref<125x80xi32, #tpu.memory_space<hbm>>
      tpu.wait_dma2 semaphore(%run_scoped3A_24 : memref<!tpu.dma_semaphore, #tpu.memory_space<semaphore_mem>>) src(%dma_wait3A_40 : memref<125x80xi32, #tpu.memory_space<hbm>>) dst(%arg7 : memref<125x80xi32, #tpu.memory_space<vmem>>)
      tpu.yield
    }) : () -> ()
    "tpu.region"() ({
      %run_scoped3A_24 = tpu.sem_alloc : memref<!tpu.dma_semaphore, #tpu.memory_space<semaphore_mem>>
      %dma_start3A_25 = arith.constant 0 : i32
      %dma_start3A_26 = arith.constant 0 : i32
      %dma_start3A_27 = tpu.memref_slice %arg4[%add3A, %dma_start3A_25, %dma_start3A_26] : memref<32x125x80xi32, #tpu.memory_space<hbm>> -> memref<1x125x80xi32, #tpu.memory_space<hbm>>
      %dma_start3A_28 = tpu.memref_squeeze %dma_start3A_27 : memref<1x125x80xi32, #tpu.memory_space<hbm>> -> memref<125x80xi32, #tpu.memory_space<hbm>>
      %dma_start3A_29 = arith.constant 0 : i32
      %dma_start3A_30 = arith.constant 0 : i32
      %dma_start3A_31 = tpu.memref_slice %arg4[%add3A, %dma_start3A_29, %dma_start3A_30] : memref<32x125x80xi32, #tpu.memory_space<hbm>> -> memref<1x125x80xi32, #tpu.memory_space<hbm>>
      %dma_start3A_32 = tpu.memref_squeeze %dma_start3A_31 : memref<1x125x80xi32, #tpu.memory_space<hbm>> -> memref<125x80xi32, #tpu.memory_space<hbm>>
      tpu.enqueue_dma source(%dma_start3A_32 : memref<125x80xi32, #tpu.memory_space<hbm>>) target(%arg8 : memref<125x80xi32, #tpu.memory_space<vmem>>) target_semaphore(%run_scoped3A_24 : memref<!tpu.dma_semaphore, #tpu.memory_space<semaphore_mem>>)
      %dma_wait3A_33 = arith.constant 0 : i32
      %dma_wait3A_34 = arith.constant 0 : i32
      %dma_wait3A_35 = tpu.memref_slice %arg4[%add3A, %dma_wait3A_33, %dma_wait3A_34] : memref<32x125x80xi32, #tpu.memory_space<hbm>> -> memref<1x125x80xi32, #tpu.memory_space<hbm>>
      %dma_wait3A_36 = tpu.memref_squeeze %dma_wait3A_35 : memref<1x125x80xi32, #tpu.memory_space<hbm>> -> memref<125x80xi32, #tpu.memory_space<hbm>>
      %dma_wait3A_37 = arith.constant 0 : i32
      %dma_wait3A_38 = arith.constant 0 : i32
      %dma_wait3A_39 = tpu.memref_slice %arg4[%add3A, %dma_wait3A_37, %dma_wait3A_38] : memref<32x125x80xi32, #tpu.memory_space<hbm>> -> memref<1x125x80xi32, #tpu.memory_space<hbm>>
      %dma_wait3A_40 = tpu.memref_squeeze %dma_wait3A_39 : memref<1x125x80xi32, #tpu.memory_space<hbm>> -> memref<125x80xi32, #tpu.memory_space<hbm>>
      tpu.wait_dma2 semaphore(%run_scoped3A_24 : memref<!tpu.dma_semaphore, #tpu.memory_space<semaphore_mem>>) src(%dma_wait3A_40 : memref<125x80xi32, #tpu.memory_space<hbm>>) dst(%arg8 : memref<125x80xi32, #tpu.memory_space<vmem>>)
      tpu.yield
    }) : () -> ()
    %mul3A_1 = arith.constant 320 : i32
    %mul3A_2 = arith.muli %arg1, %mul3A_1 : i32
    "tpu.region"() ({
      %run_scoped3A_24 = tpu.sem_alloc : memref<!tpu.dma_semaphore, #tpu.memory_space<semaphore_mem>>
      %dma_start3A_25 = arith.constant 0 : i32
      %dma_start3A_26 = tpu.memref_slice %arg11[%mul3A_2, %dma_start3A_25] : memref<10240x64xf32, #tpu.memory_space<vmem_shared>> -> memref<320x64xf32, #tpu.memory_space<vmem_shared>>
      tpu.enqueue_dma source(%arg5 : memref<320x64xf32, #tpu.memory_space<hbm>>) target(%dma_start3A_26 : memref<320x64xf32, #tpu.memory_space<vmem_shared>>) target_semaphore(%run_scoped3A_24 : memref<!tpu.dma_semaphore, #tpu.memory_space<semaphore_mem>>)
      %dma_wait3A_27 = arith.constant 0 : i32
      %dma_wait3A_28 = tpu.memref_slice %arg11[%mul3A_2, %dma_wait3A_27] : memref<10240x64xf32, #tpu.memory_space<vmem_shared>> -> memref<320x64xf32, #tpu.memory_space<vmem_shared>>
      tpu.wait_dma2 semaphore(%run_scoped3A_24 : memref<!tpu.dma_semaphore, #tpu.memory_space<semaphore_mem>>) src(%arg5 : memref<320x64xf32, #tpu.memory_space<hbm>>) dst(%dma_wait3A_28 : memref<320x64xf32, #tpu.memory_space<vmem_shared>>)
      tpu.yield
    }) : () -> ()
    %barrier3A = arith.constant 0 : index
    tpu.barrier barrier_id(%barrier3A)
    %dma_start3A = arith.constant 0 : i32
    %dma_start3A_3 = arith.constant 0 : i32
    %dma_start3A_4 = tpu.memref_slice %arg7[%dma_start3A, %dma_start3A_3] : memref<125x80xi32, #tpu.memory_space<vmem>> -> memref<1x80xi32, #tpu.memory_space<vmem>>
    %dma_start3A_5 = tpu.memref_squeeze %dma_start3A_4 : memref<1x80xi32, #tpu.memory_space<vmem>> -> memref<80xi32, #tpu.memory_space<vmem>>
    %dma_start3A_6 = arith.constant 0 : i32
    %dma_start3A_7 = arith.constant 0 : i32
    %dma_start3A_8 = tpu.memref_slice %arg2[%dma_start3A_6, %dma_start3A_7] : memref<10240x64xf32, #tpu.memory_space<hbm>> -> memref<10240x64xf32, #tpu.memory_space<hbm>>
    tpu.enqueue_indirect_dma source(%dma_start3A_8 : memref<10240x64xf32, #tpu.memory_space<hbm>>) target(%arg9 : memref<80x64xf32, #tpu.memory_space<vmem>>) offsets(%dma_start3A_5 : memref<80xi32, #tpu.memory_space<vmem>>) semaphore(%arg12 : memref<!tpu.dma_semaphore, #tpu.memory_space<semaphore_mem>>)
    %dma_wait3A = arith.constant 0 : i32
    %dma_wait3A_9 = arith.constant 0 : i32
    %dma_wait3A_10 = tpu.memref_slice %arg7[%dma_wait3A, %dma_wait3A_9] : memref<125x80xi32, #tpu.memory_space<vmem>> -> memref<1x80xi32, #tpu.memory_space<vmem>>
    %dma_wait3A_11 = tpu.memref_squeeze %dma_wait3A_10 : memref<1x80xi32, #tpu.memory_space<vmem>> -> memref<80xi32, #tpu.memory_space<vmem>>
    %dma_wait3A_12 = arith.constant 0 : i32
    %dma_wait3A_13 = arith.constant 0 : i32
    %dma_wait3A_14 = tpu.memref_slice %arg2[%dma_wait3A_12, %dma_wait3A_13] : memref<10240x64xf32, #tpu.memory_space<hbm>> -> memref<10240x64xf32, #tpu.memory_space<hbm>>
    tpu.wait_indirect_dma semaphore(%arg12 : memref<!tpu.dma_semaphore, #tpu.memory_space<semaphore_mem>>) src(%dma_wait3A_14 : memref<10240x64xf32, #tpu.memory_space<hbm>>) dst(%arg9 : memref<80x64xf32, #tpu.memory_space<vmem>>)
    %scan3A = arith.constant 0 : i32
    %scan3A_15 = arith.constant 62 : i32
    %scan3A_16 = arith.addi %scan3A, %scan3A_15 : i32
    %scan3A_17 = arith.constant 1 : i32
    scf.for %scan3A_24 = %scan3A to %scan3A_16 step %scan3A_17  : i32 {
      %mul3A_25 = arith.constant 2 : i32
      %mul3A_26 = arith.muli %scan3A_24, %mul3A_25 : i32
      %add3A_27 = arith.constant 0 : i32
      %add3A_28 = arith.addi %add3A_27, %mul3A_26 : i32
      "tpu.region"() ({
        %run_scoped3A_31 = tpu.sem_alloc : memref<!tpu.dma_semaphore, #tpu.memory_space<semaphore_mem>>
        %dma_start3A_32 = arith.constant 0 : i32
        %dma_start3A_33 = tpu.memref_slice %arg8[%add3A_28, %dma_start3A_32] : memref<125x80xi32, #tpu.memory_space<vmem>> -> memref<1x80xi32, #tpu.memory_space<vmem>>
        %dma_start3A_34 = tpu.memref_squeeze %dma_start3A_33 : memref<1x80xi32, #tpu.memory_space<vmem>> -> memref<80xi32, #tpu.memory_space<vmem>>
        %dma_start3A_35 = arith.constant 0 : i32
        %dma_start3A_36 = arith.constant 0 : i32
        %dma_start3A_37 = tpu.memref_slice %arg11[%dma_start3A_35, %dma_start3A_36] : memref<10240x64xf32, #tpu.memory_space<vmem_shared>> -> memref<10240x64xf32, #tpu.memory_space<vmem_shared>>
        tpu.enqueue_indirect_dma source(%arg9 : memref<80x64xf32, #tpu.memory_space<vmem>>) target(%dma_start3A_37 : memref<10240x64xf32, #tpu.memory_space<vmem_shared>>) offsets(%dma_start3A_34 : memref<80xi32, #tpu.memory_space<vmem>>) semaphore(%run_scoped3A_31 : memref<!tpu.dma_semaphore, #tpu.memory_space<semaphore_mem>>) {add = true}
        %dma_wait3A_38 = arith.constant 0 : i32
        %dma_wait3A_39 = tpu.memref_slice %arg8[%add3A_28, %dma_wait3A_38] : memref<125x80xi32, #tpu.memory_space<vmem>> -> memref<1x80xi32, #tpu.memory_space<vmem>>
        %dma_wait3A_40 = tpu.memref_squeeze %dma_wait3A_39 : memref<1x80xi32, #tpu.memory_space<vmem>> -> memref<80xi32, #tpu.memory_space<vmem>>
        %dma_wait3A_41 = arith.constant 0 : i32
        %dma_wait3A_42 = arith.constant 0 : i32
        %dma_wait3A_43 = tpu.memref_slice %arg11[%dma_wait3A_41, %dma_wait3A_42] : memref<10240x64xf32, #tpu.memory_space<vmem_shared>> -> memref<10240x64xf32, #tpu.memory_space<vmem_shared>>
        tpu.wait_indirect_dma semaphore(%run_scoped3A_31 : memref<!tpu.dma_semaphore, #tpu.memory_space<semaphore_mem>>) src(%arg9 : memref<80x64xf32, #tpu.memory_space<vmem>>) dst(%dma_wait3A_43 : memref<10240x64xf32, #tpu.memory_space<vmem_shared>>)
        tpu.yield
      }) : () -> ()
      %add3A_29 = arith.constant 1 : i32
      %add3A_30 = arith.addi %add3A_28, %add3A_29 : i32
      "tpu.region"() ({
        %run_scoped3A_31 = tpu.sem_alloc : memref<!tpu.dma_semaphore, #tpu.memory_space<semaphore_mem>>
        %dma_start3A_32 = arith.constant 0 : i32
        %dma_start3A_33 = tpu.memref_slice %arg8[%add3A_30, %dma_start3A_32] : memref<125x80xi32, #tpu.memory_space<vmem>> -> memref<1x80xi32, #tpu.memory_space<vmem>>
        %dma_start3A_34 = tpu.memref_squeeze %dma_start3A_33 : memref<1x80xi32, #tpu.memory_space<vmem>> -> memref<80xi32, #tpu.memory_space<vmem>>
        %dma_start3A_35 = arith.constant 0 : i32
        %dma_start3A_36 = arith.constant 0 : i32
        %dma_start3A_37 = tpu.memref_slice %arg11[%dma_start3A_35, %dma_start3A_36] : memref<10240x64xf32, #tpu.memory_space<vmem_shared>> -> memref<10240x64xf32, #tpu.memory_space<vmem_shared>>
        tpu.enqueue_indirect_dma source(%arg10 : memref<80x64xf32, #tpu.memory_space<vmem>>) target(%dma_start3A_37 : memref<10240x64xf32, #tpu.memory_space<vmem_shared>>) offsets(%dma_start3A_34 : memref<80xi32, #tpu.memory_space<vmem>>) semaphore(%run_scoped3A_31 : memref<!tpu.dma_semaphore, #tpu.memory_space<semaphore_mem>>) {add = true}
        %dma_wait3A_38 = arith.constant 0 : i32
        %dma_wait3A_39 = tpu.memref_slice %arg8[%add3A_30, %dma_wait3A_38] : memref<125x80xi32, #tpu.memory_space<vmem>> -> memref<1x80xi32, #tpu.memory_space<vmem>>
        %dma_wait3A_40 = tpu.memref_squeeze %dma_wait3A_39 : memref<1x80xi32, #tpu.memory_space<vmem>> -> memref<80xi32, #tpu.memory_space<vmem>>
        %dma_wait3A_41 = arith.constant 0 : i32
        %dma_wait3A_42 = arith.constant 0 : i32
        %dma_wait3A_43 = tpu.memref_slice %arg11[%dma_wait3A_41, %dma_wait3A_42] : memref<10240x64xf32, #tpu.memory_space<vmem_shared>> -> memref<10240x64xf32, #tpu.memory_space<vmem_shared>>
        tpu.wait_indirect_dma semaphore(%run_scoped3A_31 : memref<!tpu.dma_semaphore, #tpu.memory_space<semaphore_mem>>) src(%arg10 : memref<80x64xf32, #tpu.memory_space<vmem>>) dst(%dma_wait3A_43 : memref<10240x64xf32, #tpu.memory_space<vmem_shared>>)
        tpu.yield
      }) : () -> ()
    }
    %scan3A_18 = arith.constant 62 : i32
    %run_scoped3A = arith.constant 124 : i32
    "tpu.region"() ({
      %run_scoped3A_24 = tpu.sem_alloc : memref<!tpu.dma_semaphore, #tpu.memory_space<semaphore_mem>>
      %dma_start3A_25 = arith.constant 0 : i32
      %dma_start3A_26 = tpu.memref_slice %arg8[%run_scoped3A, %dma_start3A_25] : memref<125x80xi32, #tpu.memory_space<vmem>> -> memref<1x80xi32, #tpu.memory_space<vmem>>
      %dma_start3A_27 = tpu.memref_squeeze %dma_start3A_26 : memref<1x80xi32, #tpu.memory_space<vmem>> -> memref<80xi32, #tpu.memory_space<vmem>>
      %dma_start3A_28 = arith.constant 0 : i32
      %dma_start3A_29 = arith.constant 0 : i32
      %dma_start3A_30 = tpu.memref_slice %arg11[%dma_start3A_28, %dma_start3A_29] : memref<10240x64xf32, #tpu.memory_space<vmem_shared>> -> memref<10240x64xf32, #tpu.memory_space<vmem_shared>>
      tpu.enqueue_indirect_dma source(%arg9 : memref<80x64xf32, #tpu.memory_space<vmem>>) target(%dma_start3A_30 : memref<10240x64xf32, #tpu.memory_space<vmem_shared>>) offsets(%dma_start3A_27 : memref<80xi32, #tpu.memory_space<vmem>>) semaphore(%run_scoped3A_24 : memref<!tpu.dma_semaphore, #tpu.memory_space<semaphore_mem>>) {add = true}
      %dma_wait3A_31 = arith.constant 0 : i32
      %dma_wait3A_32 = tpu.memref_slice %arg8[%run_scoped3A, %dma_wait3A_31] : memref<125x80xi32, #tpu.memory_space<vmem>> -> memref<1x80xi32, #tpu.memory_space<vmem>>
      %dma_wait3A_33 = tpu.memref_squeeze %dma_wait3A_32 : memref<1x80xi32, #tpu.memory_space<vmem>> -> memref<80xi32, #tpu.memory_space<vmem>>
      %dma_wait3A_34 = arith.constant 0 : i32
      %dma_wait3A_35 = arith.constant 0 : i32
      %dma_wait3A_36 = tpu.memref_slice %arg11[%dma_wait3A_34, %dma_wait3A_35] : memref<10240x64xf32, #tpu.memory_space<vmem_shared>> -> memref<10240x64xf32, #tpu.memory_space<vmem_shared>>
      tpu.wait_indirect_dma semaphore(%run_scoped3A_24 : memref<!tpu.dma_semaphore, #tpu.memory_space<semaphore_mem>>) src(%arg9 : memref<80x64xf32, #tpu.memory_space<vmem>>) dst(%dma_wait3A_36 : memref<10240x64xf32, #tpu.memory_space<vmem_shared>>)
      tpu.yield
    }) : () -> ()
    %barrier3A_19 = arith.constant 0 : index
    tpu.barrier barrier_id(%barrier3A_19)
    %mul3A_20 = arith.constant 320 : i32
    %mul3A_21 = arith.muli %arg1, %mul3A_20 : i32
    %mul3A_22 = arith.constant 320 : i32
    %mul3A_23 = arith.muli %arg1, %mul3A_22 : i32
    "tpu.region"() ({
      %run_scoped3A_24 = tpu.sem_alloc : memref<!tpu.dma_semaphore, #tpu.memory_space<semaphore_mem>>
      %dma_start3A_25 = arith.constant 0 : i32
      %dma_start3A_26 = tpu.memref_slice %arg6[%arg0, %mul3A_23, %dma_start3A_25] : memref<2x10240x64xf32, #tpu.memory_space<hbm>> -> memref<1x320x64xf32, #tpu.memory_space<hbm>>
      %dma_start3A_27 = tpu.memref_squeeze %dma_start3A_26 : memref<1x320x64xf32, #tpu.memory_space<hbm>> -> memref<320x64xf32, #tpu.memory_space<hbm>>
      %dma_start3A_28 = arith.constant 0 : i32
      %dma_start3A_29 = tpu.memref_slice %arg11[%mul3A_21, %dma_start3A_28] : memref<10240x64xf32, #tpu.memory_space<vmem_shared>> -> memref<320x64xf32, #tpu.memory_space<vmem_shared>>
      tpu.enqueue_dma source(%dma_start3A_29 : memref<320x64xf32, #tpu.memory_space<vmem_shared>>) target(%dma_start3A_27 : memref<320x64xf32, #tpu.memory_space<hbm>>) target_semaphore(%run_scoped3A_24 : memref<!tpu.dma_semaphore, #tpu.memory_space<semaphore_mem>>)
      %dma_wait3A_30 = arith.constant 0 : i32
      %dma_wait3A_31 = tpu.memref_slice %arg6[%arg0, %mul3A_23, %dma_wait3A_30] : memref<2x10240x64xf32, #tpu.memory_space<hbm>> -> memref<1x320x64xf32, #tpu.memory_space<hbm>>
      %dma_wait3A_32 = tpu.memref_squeeze %dma_wait3A_31 : memref<1x320x64xf32, #tpu.memory_space<hbm>> -> memref<320x64xf32, #tpu.memory_space<hbm>>
      %dma_wait3A_33 = arith.constant 0 : i32
      %dma_wait3A_34 = tpu.memref_slice %arg11[%mul3A_21, %dma_wait3A_33] : memref<10240x64xf32, #tpu.memory_space<vmem_shared>> -> memref<320x64xf32, #tpu.memory_space<vmem_shared>>
      tpu.wait_dma2 semaphore(%run_scoped3A_24 : memref<!tpu.dma_semaphore, #tpu.memory_space<semaphore_mem>>) src(%dma_wait3A_34 : memref<320x64xf32, #tpu.memory_space<vmem_shared>>) dst(%dma_wait3A_32 : memref<320x64xf32, #tpu.memory_space<hbm>>)
      tpu.yield
    }) : () -> ()
    return
  }
}

#map = affine_map<(d0, d1) -> (0, 0)>
#map1 = affine_map<(d0, d1) -> (0, 0, 0)>
module attributes {stable_mosaic.version = 14 : i64} {
  func.func @_agg_sc(%arg0: i32, %arg1: i32, %arg2: memref<10240x64xf32, #tpu.memory_space<hbm>>, %arg3: memref<32x125x80xi32, #tpu.memory_space<hbm>>, %arg4: memref<32x125x80xi32, #tpu.memory_space<hbm>>, %arg5: memref<320x64xf32, #tpu.memory_space<hbm>>, %arg6: memref<2x10240x64xf32, #tpu.memory_space<hbm>>, %arg7: memref<125x80xi32, #tpu.memory_space<vmem>>, %arg8: memref<125x80xi32, #tpu.memory_space<vmem>>, %arg9: memref<80x64xf32, #tpu.memory_space<vmem>>, %arg10: memref<80x64xf32, #tpu.memory_space<vmem>>, %arg11: memref<10240x64xf32, #tpu.memory_space<vmem_shared>>, %arg12: memref<!tpu.dma_semaphore, #tpu.memory_space<semaphore_mem>>, %arg13: memref<!tpu.dma_semaphore, #tpu.memory_space<semaphore_mem>>) attributes {dimension_semantics = [#tpu.dimension_semantics<core_parallel>, #tpu.dimension_semantics<subcore_parallel>], iteration_bounds = array<i64: 2, 16>, scalar_prefetch = 0 : i64, scratch_operands = 7 : i64, tpu.core_type = #tpu.core_type<sc_vector_subcore>, window_params = [{transform_indices = #map}, {transform_indices = #map1}, {transform_indices = #map1}, {transform_indices = #map}, {transform_indices = #map1}]} {
    %mul3A = arith.constant 16 : i32
    %mul3A_0 = arith.muli %arg0, %mul3A : i32
    %add3A = arith.addi %mul3A_0, %arg1 : i32
    "tpu.region"() ({
      %run_scoped3A_24 = tpu.sem_alloc : memref<!tpu.dma_semaphore, #tpu.memory_space<semaphore_mem>>
      %dma_start3A_25 = arith.constant 0 : i32
      %dma_start3A_26 = arith.constant 0 : i32
      %dma_start3A_27 = tpu.memref_slice %arg3[%add3A, %dma_start3A_25, %dma_start3A_26] : memref<32x125x80xi32, #tpu.memory_space<hbm>> -> memref<1x125x80xi32, #tpu.memory_space<hbm>>
      %dma_start3A_28 = tpu.memref_squeeze %dma_start3A_27 : memref<1x125x80xi32, #tpu.memory_space<hbm>> -> memref<125x80xi32, #tpu.memory_space<hbm>>
      %dma_start3A_29 = arith.constant 0 : i32
      %dma_start3A_30 = arith.constant 0 : i32
      %dma_start3A_31 = tpu.memref_slice %arg3[%add3A, %dma_start3A_29, %dma_start3A_30] : memref<32x125x80xi32, #tpu.memory_space<hbm>> -> memref<1x125x80xi32, #tpu.memory_space<hbm>>
      %dma_start3A_32 = tpu.memref_squeeze %dma_start3A_31 : memref<1x125x80xi32, #tpu.memory_space<hbm>> -> memref<125x80xi32, #tpu.memory_space<hbm>>
      tpu.enqueue_dma source(%dma_start3A_32 : memref<125x80xi32, #tpu.memory_space<hbm>>) target(%arg7 : memref<125x80xi32, #tpu.memory_space<vmem>>) target_semaphore(%run_scoped3A_24 : memref<!tpu.dma_semaphore, #tpu.memory_space<semaphore_mem>>)
      %dma_wait3A_33 = arith.constant 0 : i32
      %dma_wait3A_34 = arith.constant 0 : i32
      %dma_wait3A_35 = tpu.memref_slice %arg3[%add3A, %dma_wait3A_33, %dma_wait3A_34] : memref<32x125x80xi32, #tpu.memory_space<hbm>> -> memref<1x125x80xi32, #tpu.memory_space<hbm>>
      %dma_wait3A_36 = tpu.memref_squeeze %dma_wait3A_35 : memref<1x125x80xi32, #tpu.memory_space<hbm>> -> memref<125x80xi32, #tpu.memory_space<hbm>>
      %dma_wait3A_37 = arith.constant 0 : i32
      %dma_wait3A_38 = arith.constant 0 : i32
      %dma_wait3A_39 = tpu.memref_slice %arg3[%add3A, %dma_wait3A_37, %dma_wait3A_38] : memref<32x125x80xi32, #tpu.memory_space<hbm>> -> memref<1x125x80xi32, #tpu.memory_space<hbm>>
      %dma_wait3A_40 = tpu.memref_squeeze %dma_wait3A_39 : memref<1x125x80xi32, #tpu.memory_space<hbm>> -> memref<125x80xi32, #tpu.memory_space<hbm>>
      tpu.wait_dma2 semaphore(%run_scoped3A_24 : memref<!tpu.dma_semaphore, #tpu.memory_space<semaphore_mem>>) src(%dma_wait3A_40 : memref<125x80xi32, #tpu.memory_space<hbm>>) dst(%arg7 : memref<125x80xi32, #tpu.memory_space<vmem>>)
      tpu.yield
    }) : () -> ()
    "tpu.region"() ({
      %run_scoped3A_24 = tpu.sem_alloc : memref<!tpu.dma_semaphore, #tpu.memory_space<semaphore_mem>>
      %dma_start3A_25 = arith.constant 0 : i32
      %dma_start3A_26 = arith.constant 0 : i32
      %dma_start3A_27 = tpu.memref_slice %arg4[%add3A, %dma_start3A_25, %dma_start3A_26] : memref<32x125x80xi32, #tpu.memory_space<hbm>> -> memref<1x125x80xi32, #tpu.memory_space<hbm>>
      %dma_start3A_28 = tpu.memref_squeeze %dma_start3A_27 : memref<1x125x80xi32, #tpu.memory_space<hbm>> -> memref<125x80xi32, #tpu.memory_space<hbm>>
      %dma_start3A_29 = arith.constant 0 : i32
      %dma_start3A_30 = arith.constant 0 : i32
      %dma_start3A_31 = tpu.memref_slice %arg4[%add3A, %dma_start3A_29, %dma_start3A_30] : memref<32x125x80xi32, #tpu.memory_space<hbm>> -> memref<1x125x80xi32, #tpu.memory_space<hbm>>
      %dma_start3A_32 = tpu.memref_squeeze %dma_start3A_31 : memref<1x125x80xi32, #tpu.memory_space<hbm>> -> memref<125x80xi32, #tpu.memory_space<hbm>>
      tpu.enqueue_dma source(%dma_start3A_32 : memref<125x80xi32, #tpu.memory_space<hbm>>) target(%arg8 : memref<125x80xi32, #tpu.memory_space<vmem>>) target_semaphore(%run_scoped3A_24 : memref<!tpu.dma_semaphore, #tpu.memory_space<semaphore_mem>>)
      %dma_wait3A_33 = arith.constant 0 : i32
      %dma_wait3A_34 = arith.constant 0 : i32
      %dma_wait3A_35 = tpu.memref_slice %arg4[%add3A, %dma_wait3A_33, %dma_wait3A_34] : memref<32x125x80xi32, #tpu.memory_space<hbm>> -> memref<1x125x80xi32, #tpu.memory_space<hbm>>
      %dma_wait3A_36 = tpu.memref_squeeze %dma_wait3A_35 : memref<1x125x80xi32, #tpu.memory_space<hbm>> -> memref<125x80xi32, #tpu.memory_space<hbm>>
      %dma_wait3A_37 = arith.constant 0 : i32
      %dma_wait3A_38 = arith.constant 0 : i32
      %dma_wait3A_39 = tpu.memref_slice %arg4[%add3A, %dma_wait3A_37, %dma_wait3A_38] : memref<32x125x80xi32, #tpu.memory_space<hbm>> -> memref<1x125x80xi32, #tpu.memory_space<hbm>>
      %dma_wait3A_40 = tpu.memref_squeeze %dma_wait3A_39 : memref<1x125x80xi32, #tpu.memory_space<hbm>> -> memref<125x80xi32, #tpu.memory_space<hbm>>
      tpu.wait_dma2 semaphore(%run_scoped3A_24 : memref<!tpu.dma_semaphore, #tpu.memory_space<semaphore_mem>>) src(%dma_wait3A_40 : memref<125x80xi32, #tpu.memory_space<hbm>>) dst(%arg8 : memref<125x80xi32, #tpu.memory_space<vmem>>)
      tpu.yield
    }) : () -> ()
    %mul3A_1 = arith.constant 320 : i32
    %mul3A_2 = arith.muli %arg1, %mul3A_1 : i32
    "tpu.region"() ({
      %run_scoped3A_24 = tpu.sem_alloc : memref<!tpu.dma_semaphore, #tpu.memory_space<semaphore_mem>>
      %dma_start3A_25 = arith.constant 0 : i32
      %dma_start3A_26 = tpu.memref_slice %arg11[%mul3A_2, %dma_start3A_25] : memref<10240x64xf32, #tpu.memory_space<vmem_shared>> -> memref<320x64xf32, #tpu.memory_space<vmem_shared>>
      tpu.enqueue_dma source(%arg5 : memref<320x64xf32, #tpu.memory_space<hbm>>) target(%dma_start3A_26 : memref<320x64xf32, #tpu.memory_space<vmem_shared>>) target_semaphore(%run_scoped3A_24 : memref<!tpu.dma_semaphore, #tpu.memory_space<semaphore_mem>>)
      %dma_wait3A_27 = arith.constant 0 : i32
      %dma_wait3A_28 = tpu.memref_slice %arg11[%mul3A_2, %dma_wait3A_27] : memref<10240x64xf32, #tpu.memory_space<vmem_shared>> -> memref<320x64xf32, #tpu.memory_space<vmem_shared>>
      tpu.wait_dma2 semaphore(%run_scoped3A_24 : memref<!tpu.dma_semaphore, #tpu.memory_space<semaphore_mem>>) src(%arg5 : memref<320x64xf32, #tpu.memory_space<hbm>>) dst(%dma_wait3A_28 : memref<320x64xf32, #tpu.memory_space<vmem_shared>>)
      tpu.yield
    }) : () -> ()
    %barrier3A = arith.constant 0 : index
    tpu.barrier barrier_id(%barrier3A)
    %dma_start3A = arith.constant 0 : i32
    %dma_start3A_3 = arith.constant 0 : i32
    %dma_start3A_4 = tpu.memref_slice %arg7[%dma_start3A, %dma_start3A_3] : memref<125x80xi32, #tpu.memory_space<vmem>> -> memref<1x80xi32, #tpu.memory_space<vmem>>
    %dma_start3A_5 = tpu.memref_squeeze %dma_start3A_4 : memref<1x80xi32, #tpu.memory_space<vmem>> -> memref<80xi32, #tpu.memory_space<vmem>>
    %dma_start3A_6 = arith.constant 0 : i32
    %dma_start3A_7 = arith.constant 0 : i32
    %dma_start3A_8 = tpu.memref_slice %arg2[%dma_start3A_6, %dma_start3A_7] : memref<10240x64xf32, #tpu.memory_space<hbm>> -> memref<10240x64xf32, #tpu.memory_space<hbm>>
    tpu.enqueue_indirect_dma source(%dma_start3A_8 : memref<10240x64xf32, #tpu.memory_space<hbm>>) target(%arg9 : memref<80x64xf32, #tpu.memory_space<vmem>>) offsets(%dma_start3A_5 : memref<80xi32, #tpu.memory_space<vmem>>) semaphore(%arg12 : memref<!tpu.dma_semaphore, #tpu.memory_space<semaphore_mem>>)
    %dma_wait3A = arith.constant 0 : i32
    %dma_wait3A_9 = arith.constant 0 : i32
    %dma_wait3A_10 = tpu.memref_slice %arg7[%dma_wait3A, %dma_wait3A_9] : memref<125x80xi32, #tpu.memory_space<vmem>> -> memref<1x80xi32, #tpu.memory_space<vmem>>
    %dma_wait3A_11 = tpu.memref_squeeze %dma_wait3A_10 : memref<1x80xi32, #tpu.memory_space<vmem>> -> memref<80xi32, #tpu.memory_space<vmem>>
    %dma_wait3A_12 = arith.constant 0 : i32
    %dma_wait3A_13 = arith.constant 0 : i32
    %dma_wait3A_14 = tpu.memref_slice %arg2[%dma_wait3A_12, %dma_wait3A_13] : memref<10240x64xf32, #tpu.memory_space<hbm>> -> memref<10240x64xf32, #tpu.memory_space<hbm>>
    tpu.wait_indirect_dma semaphore(%arg12 : memref<!tpu.dma_semaphore, #tpu.memory_space<semaphore_mem>>) src(%dma_wait3A_14 : memref<10240x64xf32, #tpu.memory_space<hbm>>) dst(%arg9 : memref<80x64xf32, #tpu.memory_space<vmem>>)
    %scan3A = arith.constant 0 : i32
    %scan3A_15 = arith.constant 62 : i32
    %scan3A_16 = arith.addi %scan3A, %scan3A_15 : i32
    %scan3A_17 = arith.constant 1 : i32
    scf.for %scan3A_24 = %scan3A to %scan3A_16 step %scan3A_17  : i32 {
      %mul3A_25 = arith.constant 2 : i32
      %mul3A_26 = arith.muli %scan3A_24, %mul3A_25 : i32
      %add3A_27 = arith.constant 0 : i32
      %add3A_28 = arith.addi %add3A_27, %mul3A_26 : i32
      "tpu.region"() ({
        %run_scoped3A_31 = tpu.sem_alloc : memref<!tpu.dma_semaphore, #tpu.memory_space<semaphore_mem>>
        %dma_start3A_32 = arith.constant 0 : i32
        %dma_start3A_33 = tpu.memref_slice %arg8[%add3A_28, %dma_start3A_32] : memref<125x80xi32, #tpu.memory_space<vmem>> -> memref<1x80xi32, #tpu.memory_space<vmem>>
        %dma_start3A_34 = tpu.memref_squeeze %dma_start3A_33 : memref<1x80xi32, #tpu.memory_space<vmem>> -> memref<80xi32, #tpu.memory_space<vmem>>
        %dma_start3A_35 = arith.constant 0 : i32
        %dma_start3A_36 = arith.constant 0 : i32
        %dma_start3A_37 = tpu.memref_slice %arg11[%dma_start3A_35, %dma_start3A_36] : memref<10240x64xf32, #tpu.memory_space<vmem_shared>> -> memref<10240x64xf32, #tpu.memory_space<vmem_shared>>
        tpu.enqueue_indirect_dma source(%arg9 : memref<80x64xf32, #tpu.memory_space<vmem>>) target(%dma_start3A_37 : memref<10240x64xf32, #tpu.memory_space<vmem_shared>>) offsets(%dma_start3A_34 : memref<80xi32, #tpu.memory_space<vmem>>) semaphore(%run_scoped3A_31 : memref<!tpu.dma_semaphore, #tpu.memory_space<semaphore_mem>>) {add = true}
        %dma_wait3A_38 = arith.constant 0 : i32
        %dma_wait3A_39 = tpu.memref_slice %arg8[%add3A_28, %dma_wait3A_38] : memref<125x80xi32, #tpu.memory_space<vmem>> -> memref<1x80xi32, #tpu.memory_space<vmem>>
        %dma_wait3A_40 = tpu.memref_squeeze %dma_wait3A_39 : memref<1x80xi32, #tpu.memory_space<vmem>> -> memref<80xi32, #tpu.memory_space<vmem>>
        %dma_wait3A_41 = arith.constant 0 : i32
        %dma_wait3A_42 = arith.constant 0 : i32
        %dma_wait3A_43 = tpu.memref_slice %arg11[%dma_wait3A_41, %dma_wait3A_42] : memref<10240x64xf32, #tpu.memory_space<vmem_shared>> -> memref<10240x64xf32, #tpu.memory_space<vmem_shared>>
        tpu.wait_indirect_dma semaphore(%run_scoped3A_31 : memref<!tpu.dma_semaphore, #tpu.memory_space<semaphore_mem>>) src(%arg9 : memref<80x64xf32, #tpu.memory_space<vmem>>) dst(%dma_wait3A_43 : memref<10240x64xf32, #tpu.memory_space<vmem_shared>>)
        tpu.yield
      }) : () -> ()
      %add3A_29 = arith.constant 1 : i32
      %add3A_30 = arith.addi %add3A_28, %add3A_29 : i32
      "tpu.region"() ({
        %run_scoped3A_31 = tpu.sem_alloc : memref<!tpu.dma_semaphore, #tpu.memory_space<semaphore_mem>>
        %dma_start3A_32 = arith.constant 0 : i32
        %dma_start3A_33 = tpu.memref_slice %arg8[%add3A_30, %dma_start3A_32] : memref<125x80xi32, #tpu.memory_space<vmem>> -> memref<1x80xi32, #tpu.memory_space<vmem>>
        %dma_start3A_34 = tpu.memref_squeeze %dma_start3A_33 : memref<1x80xi32, #tpu.memory_space<vmem>> -> memref<80xi32, #tpu.memory_space<vmem>>
        %dma_start3A_35 = arith.constant 0 : i32
        %dma_start3A_36 = arith.constant 0 : i32
        %dma_start3A_37 = tpu.memref_slice %arg11[%dma_start3A_35, %dma_start3A_36] : memref<10240x64xf32, #tpu.memory_space<vmem_shared>> -> memref<10240x64xf32, #tpu.memory_space<vmem_shared>>
        tpu.enqueue_indirect_dma source(%arg10 : memref<80x64xf32, #tpu.memory_space<vmem>>) target(%dma_start3A_37 : memref<10240x64xf32, #tpu.memory_space<vmem_shared>>) offsets(%dma_start3A_34 : memref<80xi32, #tpu.memory_space<vmem>>) semaphore(%run_scoped3A_31 : memref<!tpu.dma_semaphore, #tpu.memory_space<semaphore_mem>>) {add = true}
        %dma_wait3A_38 = arith.constant 0 : i32
        %dma_wait3A_39 = tpu.memref_slice %arg8[%add3A_30, %dma_wait3A_38] : memref<125x80xi32, #tpu.memory_space<vmem>> -> memref<1x80xi32, #tpu.memory_space<vmem>>
        %dma_wait3A_40 = tpu.memref_squeeze %dma_wait3A_39 : memref<1x80xi32, #tpu.memory_space<vmem>> -> memref<80xi32, #tpu.memory_space<vmem>>
        %dma_wait3A_41 = arith.constant 0 : i32
        %dma_wait3A_42 = arith.constant 0 : i32
        %dma_wait3A_43 = tpu.memref_slice %arg11[%dma_wait3A_41, %dma_wait3A_42] : memref<10240x64xf32, #tpu.memory_space<vmem_shared>> -> memref<10240x64xf32, #tpu.memory_space<vmem_shared>>
        tpu.wait_indirect_dma semaphore(%run_scoped3A_31 : memref<!tpu.dma_semaphore, #tpu.memory_space<semaphore_mem>>) src(%arg10 : memref<80x64xf32, #tpu.memory_space<vmem>>) dst(%dma_wait3A_43 : memref<10240x64xf32, #tpu.memory_space<vmem_shared>>)
        tpu.yield
      }) : () -> ()
    }
    %scan3A_18 = arith.constant 62 : i32
    %run_scoped3A = arith.constant 124 : i32
    "tpu.region"() ({
      %run_scoped3A_24 = tpu.sem_alloc : memref<!tpu.dma_semaphore, #tpu.memory_space<semaphore_mem>>
      %dma_start3A_25 = arith.constant 0 : i32
      %dma_start3A_26 = tpu.memref_slice %arg8[%run_scoped3A, %dma_start3A_25] : memref<125x80xi32, #tpu.memory_space<vmem>> -> memref<1x80xi32, #tpu.memory_space<vmem>>
      %dma_start3A_27 = tpu.memref_squeeze %dma_start3A_26 : memref<1x80xi32, #tpu.memory_space<vmem>> -> memref<80xi32, #tpu.memory_space<vmem>>
      %dma_start3A_28 = arith.constant 0 : i32
      %dma_start3A_29 = arith.constant 0 : i32
      %dma_start3A_30 = tpu.memref_slice %arg11[%dma_start3A_28, %dma_start3A_29] : memref<10240x64xf32, #tpu.memory_space<vmem_shared>> -> memref<10240x64xf32, #tpu.memory_space<vmem_shared>>
      tpu.enqueue_indirect_dma source(%arg9 : memref<80x64xf32, #tpu.memory_space<vmem>>) target(%dma_start3A_30 : memref<10240x64xf32, #tpu.memory_space<vmem_shared>>) offsets(%dma_start3A_27 : memref<80xi32, #tpu.memory_space<vmem>>) semaphore(%run_scoped3A_24 : memref<!tpu.dma_semaphore, #tpu.memory_space<semaphore_mem>>) {add = true}
      %dma_wait3A_31 = arith.constant 0 : i32
      %dma_wait3A_32 = tpu.memref_slice %arg8[%run_scoped3A, %dma_wait3A_31] : memref<125x80xi32, #tpu.memory_space<vmem>> -> memref<1x80xi32, #tpu.memory_space<vmem>>
      %dma_wait3A_33 = tpu.memref_squeeze %dma_wait3A_32 : memref<1x80xi32, #tpu.memory_space<vmem>> -> memref<80xi32, #tpu.memory_space<vmem>>
      %dma_wait3A_34 = arith.constant 0 : i32
      %dma_wait3A_35 = arith.constant 0 : i32
      %dma_wait3A_36 = tpu.memref_slice %arg11[%dma_wait3A_34, %dma_wait3A_35] : memref<10240x64xf32, #tpu.memory_space<vmem_shared>> -> memref<10240x64xf32, #tpu.memory_space<vmem_shared>>
      tpu.wait_indirect_dma semaphore(%run_scoped3A_24 : memref<!tpu.dma_semaphore, #tpu.memory_space<semaphore_mem>>) src(%arg9 : memref<80x64xf32, #tpu.memory_space<vmem>>) dst(%dma_wait3A_36 : memref<10240x64xf32, #tpu.memory_space<vmem_shared>>)
      tpu.yield
    }) : () -> ()
    %barrier3A_19 = arith.constant 0 : index
    tpu.barrier barrier_id(%barrier3A_19)
    %mul3A_20 = arith.constant 320 : i32
    %mul3A_21 = arith.muli %arg1, %mul3A_20 : i32
    %mul3A_22 = arith.constant 320 : i32
    %mul3A_23 = arith.muli %arg1, %mul3A_22 : i32
    "tpu.region"() ({
      %run_scoped3A_24 = tpu.sem_alloc : memref<!tpu.dma_semaphore, #tpu.memory_space<semaphore_mem>>
      %dma_start3A_25 = arith.constant 0 : i32
      %dma_start3A_26 = tpu.memref_slice %arg6[%arg0, %mul3A_23, %dma_start3A_25] : memref<2x10240x64xf32, #tpu.memory_space<hbm>> -> memref<1x320x64xf32, #tpu.memory_space<hbm>>
      %dma_start3A_27 = tpu.memref_squeeze %dma_start3A_26 : memref<1x320x64xf32, #tpu.memory_space<hbm>> -> memref<320x64xf32, #tpu.memory_space<hbm>>
      %dma_start3A_28 = arith.constant 0 : i32
      %dma_start3A_29 = tpu.memref_slice %arg11[%mul3A_21, %dma_start3A_28] : memref<10240x64xf32, #tpu.memory_space<vmem_shared>> -> memref<320x64xf32, #tpu.memory_space<vmem_shared>>
      tpu.enqueue_dma source(%dma_start3A_29 : memref<320x64xf32, #tpu.memory_space<vmem_shared>>) target(%dma_start3A_27 : memref<320x64xf32, #tpu.memory_space<hbm>>) target_semaphore(%run_scoped3A_24 : memref<!tpu.dma_semaphore, #tpu.memory_space<semaphore_mem>>)
      %dma_wait3A_30 = arith.constant 0 : i32
      %dma_wait3A_31 = tpu.memref_slice %arg6[%arg0, %mul3A_23, %dma_wait3A_30] : memref<2x10240x64xf32, #tpu.memory_space<hbm>> -> memref<1x320x64xf32, #tpu.memory_space<hbm>>
      %dma_wait3A_32 = tpu.memref_squeeze %dma_wait3A_31 : memref<1x320x64xf32, #tpu.memory_space<hbm>> -> memref<320x64xf32, #tpu.memory_space<hbm>>
      %dma_wait3A_33 = arith.constant 0 : i32
      %dma_wait3A_34 = tpu.memref_slice %arg11[%mul3A_21, %dma_wait3A_33] : memref<10240x64xf32, #tpu.memory_space<vmem_shared>> -> memref<320x64xf32, #tpu.memory_space<vmem_shared>>
      tpu.wait_dma2 semaphore(%run_scoped3A_24 : memref<!tpu.dma_semaphore, #tpu.memory_space<semaphore_mem>>) src(%dma_wait3A_34 : memref<320x64xf32, #tpu.memory_space<vmem_shared>>) dst(%dma_wait3A_32 : memref<320x64xf32, #tpu.memory_space<hbm>>)
      tpu.yield
    }) : () -> ()
    return
  }
}

module attributes {stable_mosaic.version = 14 : i64} {
  func.func @_tch_body(%arg0: memref<10240x128xf32, #tpu.memory_space<vmem>>, %arg1: memref<128x64xf32, #tpu.memory_space<vmem>>, %arg2: memref<10240x64xf32, #tpu.memory_space<vmem>>) attributes {dimension_semantics = [], scalar_prefetch = 0 : i64, scratch_operands = 0 : i64, tpu.core_type = #tpu.core_type<tc>} {
    %get3A = arith.constant 0 : index
    %get3A_0 = arith.constant 0 : index
    %get3A_1 = vector.load %arg0[%get3A, %get3A_0] : memref<10240x128xf32, #tpu.memory_space<vmem>>, vector<10240x128xf32>
    %get3A_2 = arith.constant 0 : index
    %get3A_3 = arith.constant 0 : index
    %get3A_4 = vector.load %arg1[%get3A_2, %get3A_3] : memref<128x64xf32, #tpu.memory_space<vmem>>, vector<128x64xf32>
    %dot_general3A = arith.constant dense<0.000000e+00> : vector<10240x64xf32>
    %dot_general3A_5 = tpu.matmul %get3A_1, %get3A_4, %dot_general3A {dimension_numbers = #tpu.dot_dimension_numbers<[1], [0], [0], [1], [0, 0, 1, 1], [], []>, transpose_lhs_hint = false} : vector<10240x128xf32>, vector<128x64xf32>, vector<10240x64xf32> -> vector<10240x64xf32>
    %swap3A = arith.constant 0 : index
    %swap3A_6 = arith.constant 0 : index
    %swap3A_7 = vector.load %arg2[%swap3A, %swap3A_6] : memref<10240x64xf32, #tpu.memory_space<vmem>>, vector<10240x64xf32>
    tpu.vector_store %arg2[%swap3A, %swap3A_6], %dot_general3A_5 {strides = array<i32>} : memref<10240x64xf32, #tpu.memory_space<vmem>>, vector<10240x64xf32>,
    return
  }
}

module attributes {stable_mosaic.version = 14 : i64} {
  func.func @_tc1_body(%arg0: memref<2x10240x16xf32, #tpu.memory_space<vmem>>, %arg1: memref<10240x64xf32, #tpu.memory_space<vmem>>, %arg2: memref<10240x1xf32, #tpu.memory_space<vmem>>, %arg3: memref<10240x64xf32, #tpu.memory_space<vmem>>) attributes {dimension_semantics = [], scalar_prefetch = 0 : i64, scratch_operands = 0 : i64, tpu.core_type = #tpu.core_type<tc>} {
    %get3A = arith.constant 0 : index
    %get3A_0 = arith.constant 0 : index
    %get3A_1 = arith.constant 0 : index
    %get3A_2 = vector.load %arg0[%get3A, %get3A_0, %get3A_1] : memref<2x10240x16xf32, #tpu.memory_space<vmem>>, vector<2x10240x16xf32>
    %slice3A = vector.extract_strided_slice %get3A_2 {offsets = [0, 0, 0], sizes = [1, 10240, 1], strides = [1, 1, 1]} : vector<2x10240x16xf32> to vector<1x10240x1xf32>
    %squeeze3A = vector.shape_cast %slice3A : vector<1x10240x1xf32> to vector<10240x1xf32>
    %add3A = arith.constant 1.000000e+00 : f32
    %add3A_3 = vector.broadcast %add3A : f32 to vector<10240x1xf32>
    %add3A_4 = arith.addf %add3A_3, %squeeze3A : vector<10240x1xf32>
    %slice3A_5 = vector.extract_strided_slice %get3A_2 {offsets = [1, 0, 0], sizes = [1, 10240, 1], strides = [1, 1, 1]} : vector<2x10240x16xf32> to vector<1x10240x1xf32>
    %squeeze3A_6 = vector.shape_cast %slice3A_5 : vector<1x10240x1xf32> to vector<10240x1xf32>
    %add3A_7 = arith.addf %add3A_4, %squeeze3A_6 : vector<10240x1xf32>
    %rsqrt3A = math.rsqrt %add3A_7 : vector<10240x1xf32>
    %swap3A = arith.constant 0 : index
    %swap3A_8 = arith.constant 0 : index
    %swap3A_9 = vector.load %arg2[%swap3A, %swap3A_8] : memref<10240x1xf32, #tpu.memory_space<vmem>>, vector<10240x1xf32>
    tpu.vector_store %arg2[%swap3A, %swap3A_8], %rsqrt3A {strides = array<i32>} : memref<10240x1xf32, #tpu.memory_space<vmem>>, vector<10240x1xf32>,
    %get3A_10 = arith.constant 0 : index
    %get3A_11 = arith.constant 0 : index
    %get3A_12 = vector.load %arg1[%get3A_10, %get3A_11] : memref<10240x64xf32, #tpu.memory_space<vmem>>, vector<10240x64xf32>
    %mul3A = vector.broadcast %rsqrt3A : vector<10240x1xf32> to vector<10240x64xf32>
    %mul3A_13 = arith.mulf %get3A_12, %mul3A : vector<10240x64xf32>
    %swap3A_14 = arith.constant 0 : index
    %swap3A_15 = arith.constant 0 : index
    %swap3A_16 = vector.load %arg3[%swap3A_14, %swap3A_15] : memref<10240x64xf32, #tpu.memory_space<vmem>>, vector<10240x64xf32>
    tpu.vector_store %arg3[%swap3A_14, %swap3A_15], %mul3A_13 {strides = array<i32>} : memref<10240x64xf32, #tpu.memory_space<vmem>>, vector<10240x64xf32>,
    return
  }
}

module attributes {stable_mosaic.version = 14 : i64} {
  func.func @_tcmid_body(%arg0: memref<2x10240x64xf32, #tpu.memory_space<vmem>>, %arg1: memref<10240x64xf32, #tpu.memory_space<vmem>>, %arg2: memref<10240x1xf32, #tpu.memory_space<vmem>>, %arg3: memref<1x64xf32, #tpu.memory_space<vmem>>, %arg4: memref<64x64xf32, #tpu.memory_space<vmem>>, %arg5: memref<10240x64xf32, #tpu.memory_space<vmem>>) attributes {dimension_semantics = [], scalar_prefetch = 0 : i64, scratch_operands = 0 : i64, tpu.core_type = #tpu.core_type<tc>} {
    %get3A = arith.constant 0 : index
    %get3A_0 = arith.constant 0 : index
    %get3A_1 = arith.constant 0 : index
    %get3A_2 = vector.load %arg0[%get3A, %get3A_0, %get3A_1] : memref<2x10240x64xf32, #tpu.memory_space<vmem>>, vector<2x10240x64xf32>
    %get3A_3 = arith.constant 0 : index
    %get3A_4 = arith.constant 0 : index
    %get3A_5 = vector.load %arg2[%get3A_3, %get3A_4] : memref<10240x1xf32, #tpu.memory_space<vmem>>, vector<10240x1xf32>
    %slice3A = vector.extract_strided_slice %get3A_2 {offsets = [0, 0, 0], sizes = [1, 10240, 64], strides = [1, 1, 1]} : vector<2x10240x64xf32> to vector<1x10240x64xf32>
    %squeeze3A = vector.shape_cast %slice3A : vector<1x10240x64xf32> to vector<10240x64xf32>
    %slice3A_6 = vector.extract_strided_slice %get3A_2 {offsets = [1, 0, 0], sizes = [1, 10240, 64], strides = [1, 1, 1]} : vector<2x10240x64xf32> to vector<1x10240x64xf32>
    %squeeze3A_7 = vector.shape_cast %slice3A_6 : vector<1x10240x64xf32> to vector<10240x64xf32>
    %add3A = arith.addf %squeeze3A, %squeeze3A_7 : vector<10240x64xf32>
    %get3A_8 = arith.constant 0 : index
    %get3A_9 = arith.constant 0 : index
    %get3A_10 = vector.load %arg1[%get3A_8, %get3A_9] : memref<10240x64xf32, #tpu.memory_space<vmem>>, vector<10240x64xf32>
    %add3A_11 = arith.addf %add3A, %get3A_10 : vector<10240x64xf32>
    %mul3A = vector.broadcast %get3A_5 : vector<10240x1xf32> to vector<10240x64xf32>
    %mul3A_12 = arith.mulf %add3A_11, %mul3A : vector<10240x64xf32>
    %get3A_13 = arith.constant 0 : index
    %get3A_14 = arith.constant 0 : index
    %get3A_15 = vector.load %arg3[%get3A_13, %get3A_14] : memref<1x64xf32, #tpu.memory_space<vmem>>, vector<1x64xf32>
    %add3A_16 = vector.broadcast %get3A_15 : vector<1x64xf32> to vector<10240x64xf32>
    %add3A_17 = arith.addf %mul3A_12, %add3A_16 : vector<10240x64xf32>
    %max3A = arith.constant 0.000000e+00 : f32
    %max3A_18 = vector.broadcast %max3A : f32 to vector<10240x64xf32>
    %max3A_19 = arith.maximumf %add3A_17, %max3A_18 : vector<10240x64xf32>
    %get3A_20 = arith.constant 0 : index
    %get3A_21 = arith.constant 0 : index
    %get3A_22 = vector.load %arg4[%get3A_20, %get3A_21] : memref<64x64xf32, #tpu.memory_space<vmem>>, vector<64x64xf32>
    %dot_general3A = arith.constant dense<0.000000e+00> : vector<10240x64xf32>
    %dot_general3A_23 = tpu.matmul %max3A_19, %get3A_22, %dot_general3A {dimension_numbers = #tpu.dot_dimension_numbers<[1], [0], [0], [1], [0, 0, 1, 1], [], []>, transpose_lhs_hint = false} : vector<10240x64xf32>, vector<64x64xf32>, vector<10240x64xf32> -> vector<10240x64xf32>
    %mul3A_24 = vector.broadcast %get3A_5 : vector<10240x1xf32> to vector<10240x64xf32>
    %mul3A_25 = arith.mulf %dot_general3A_23, %mul3A_24 : vector<10240x64xf32>
    %swap3A = arith.constant 0 : index
    %swap3A_26 = arith.constant 0 : index
    %swap3A_27 = vector.load %arg5[%swap3A, %swap3A_26] : memref<10240x64xf32, #tpu.memory_space<vmem>>, vector<10240x64xf32>
    tpu.vector_store %arg5[%swap3A, %swap3A_26], %mul3A_25 {strides = array<i32>} : memref<10240x64xf32, #tpu.memory_space<vmem>>, vector<10240x64xf32>,
    return
  }
}

module attributes {stable_mosaic.version = 14 : i64} {
  func.func @_tcfin_body(%arg0: memref<2x10240x64xf32, #tpu.memory_space<vmem>>, %arg1: memref<10240x64xf32, #tpu.memory_space<vmem>>, %arg2: memref<10240x1xf32, #tpu.memory_space<vmem>>, %arg3: memref<1x64xf32, #tpu.memory_space<vmem>>, %arg4: memref<64x1xf32, #tpu.memory_space<vmem>>, %arg5: memref<1x1xf32, #tpu.memory_space<vmem>>, %arg6: memref<10240x1xf32, #tpu.memory_space<vmem>>) attributes {dimension_semantics = [], scalar_prefetch = 0 : i64, scratch_operands = 0 : i64, tpu.core_type = #tpu.core_type<tc>} {
    %get3A = arith.constant 0 : index
    %get3A_0 = arith.constant 0 : index
    %get3A_1 = arith.constant 0 : index
    %get3A_2 = vector.load %arg0[%get3A, %get3A_0, %get3A_1] : memref<2x10240x64xf32, #tpu.memory_space<vmem>>, vector<2x10240x64xf32>
    %slice3A = vector.extract_strided_slice %get3A_2 {offsets = [0, 0, 0], sizes = [1, 10240, 64], strides = [1, 1, 1]} : vector<2x10240x64xf32> to vector<1x10240x64xf32>
    %squeeze3A = vector.shape_cast %slice3A : vector<1x10240x64xf32> to vector<10240x64xf32>
    %slice3A_3 = vector.extract_strided_slice %get3A_2 {offsets = [1, 0, 0], sizes = [1, 10240, 64], strides = [1, 1, 1]} : vector<2x10240x64xf32> to vector<1x10240x64xf32>
    %squeeze3A_4 = vector.shape_cast %slice3A_3 : vector<1x10240x64xf32> to vector<10240x64xf32>
    %add3A = arith.addf %squeeze3A, %squeeze3A_4 : vector<10240x64xf32>
    %get3A_5 = arith.constant 0 : index
    %get3A_6 = arith.constant 0 : index
    %get3A_7 = vector.load %arg1[%get3A_5, %get3A_6] : memref<10240x64xf32, #tpu.memory_space<vmem>>, vector<10240x64xf32>
    %add3A_8 = arith.addf %add3A, %get3A_7 : vector<10240x64xf32>
    %get3A_9 = arith.constant 0 : index
    %get3A_10 = arith.constant 0 : index
    %get3A_11 = vector.load %arg2[%get3A_9, %get3A_10] : memref<10240x1xf32, #tpu.memory_space<vmem>>, vector<10240x1xf32>
    %mul3A = vector.broadcast %get3A_11 : vector<10240x1xf32> to vector<10240x64xf32>
    %mul3A_12 = arith.mulf %add3A_8, %mul3A : vector<10240x64xf32>
    %get3A_13 = arith.constant 0 : index
    %get3A_14 = arith.constant 0 : index
    %get3A_15 = vector.load %arg3[%get3A_13, %get3A_14] : memref<1x64xf32, #tpu.memory_space<vmem>>, vector<1x64xf32>
    %add3A_16 = vector.broadcast %get3A_15 : vector<1x64xf32> to vector<10240x64xf32>
    %add3A_17 = arith.addf %mul3A_12, %add3A_16 : vector<10240x64xf32>
    %max3A = arith.constant 0.000000e+00 : f32
    %max3A_18 = vector.broadcast %max3A : f32 to vector<10240x64xf32>
    %max3A_19 = arith.maximumf %add3A_17, %max3A_18 : vector<10240x64xf32>
    %get3A_20 = arith.constant 0 : index
    %get3A_21 = arith.constant 0 : index
    %get3A_22 = vector.load %arg4[%get3A_20, %get3A_21] : memref<64x1xf32, #tpu.memory_space<vmem>>, vector<64x1xf32>
    %dot_general3A = arith.constant dense<0.000000e+00> : vector<10240x1xf32>
    %dot_general3A_23 = tpu.matmul %max3A_19, %get3A_22, %dot_general3A {dimension_numbers = #tpu.dot_dimension_numbers<[1], [0], [0], [1], [0, 0, 1, 1], [], []>, transpose_lhs_hint = false} : vector<10240x64xf32>, vector<64x1xf32>, vector<10240x1xf32> -> vector<10240x1xf32>
    %get3A_24 = arith.constant 0 : index
    %get3A_25 = arith.constant 0 : index
    %get3A_26 = vector.load %arg5[%get3A_24, %get3A_25] : memref<1x1xf32, #tpu.memory_space<vmem>>, vector<1x1xf32>
    %add3A_27 = vector.broadcast %get3A_26 : vector<1x1xf32> to vector<10240x1xf32>
    %add3A_28 = arith.addf %dot_general3A_23, %add3A_27 : vector<10240x1xf32>
    %swap3A = arith.constant 0 : index
    %swap3A_29 = arith.constant 0 : index
    %swap3A_30 = vector.load %arg6[%swap3A, %swap3A_29] : memref<10240x1xf32, #tpu.memory_space<vmem>>, vector<10240x1xf32>
    tpu.vector_store %arg6[%swap3A, %swap3A_29], %add3A_28 {strides = array<i32>} : memref<10240x1xf32, #tpu.memory_space<vmem>>, vector<10240x1xf32>,
    return
  }
}

</mosaic_0001>

<sc_bundles>
// kernel: kernel.11.cloned.1.call-start
scs
__scs_entry_jumppad:
0x0: {  	(pc) =	sbr.rel $0x88, $3  }
0x1: {  	(tag) =	ssettag $0x0;
	lr =	simm.s32 $0x1  }
0x2: {  	[smem:$0x3F97] =	sst lr;
	_ =	strace $0xD0000000  }
0x3: {  	_ = 	snop  }
0x4: {  	_ = 	snop  }
0x5: {  	_ = 	snop  }
0x6: {  	_ = 	snop  }
0x7: {  	_ = 	snop  }
__scs_overlays_trampoline_lowered:
0x8: {  	[smem:$0x3FA6] =	sst s0  }
0x9: {  	[smem:$0x3FA7] =	sst s1  }
0xa: {  	[smem:$0x3FA8] =	sst s2  }
0xb: {  	[smem:$0x3FA9] =	sst s3  }
0xc: {  	[smem:$0x3FAA] =	sst s4  }
0xd: {  	[smem:$0x3FAB] =	sst s5  }
0xe: {  	[smem:$0x3FAC] =	sst s6  }
0xf: {  	[smem:$0x3FAD] =	sst s7  }
0x10: {  	[smem:$0x3FAE] =	sst s8  }
0x11: {  	[smem:$0x3FAF] =	sst s9;
	s0 =	simm.s32 @!p0 $0x0  }
0x12: {  	s1 =	sld [smem:$0x3F95];
	s0 =	simm.s32 @p0 $0x1  }
0x13: {  	[smem:$0x3FB0] =	sst s0;
	s0 =	simm.s32 @!p1 $0x0  }
0x14: {  	s2 =	sld [smem:$0x3F94];
	s0 =	simm.s32 @p1 $0x1  }
0x15: {  	[smem:$0x3FB1] =	sst s0;
	s0 =	simm.s32 @!p2 $0x0  }
0x16: {  	s3 =	sld [smem:$0x3FDB];
	s0 =	simm.s32 @p2 $0x1  }
0x17: {  	s4 =	simm.s32 $0x1BF5;
	[smem:$0x3FB3] =	sst s0  }
0x18: {  	s0 =	sld [smem:$0x3F96];
	_ =	swait.ge [sflag:s4], $0x0  }
0x19: {  	s7 =	sld [smem:$0x3F97]  }
0x1a: {  	s8 =	sadd.s32 $0xFFFFE003, lr  }
0x1b: {  	s9 =	sadd.s32 $0xFFFFFEF7, lr;
	s5 =	simm.s32 $0xFFFFFFFF;
	p2 =	slt.u32 s8, $0xFFFFF086  }
0x1c: {  	p1 =	slt.u32 s9, $0xF7A;
	s5 =	simm.s32 @!p2 $0x0  }
0x1d: {  	s5 =	simm.s32 @p1 $0x1;
	p0 =	seq.s32 s7, s2  }
0x1e: {  	s7 =	smul.u32 @!p0 $0xF7A, s2;
	p2 =	seq.s32 @!p0 s5, $0x0  }
0x1f: {  	s9 =	smul.u32 $0xF7A, s1;
	s8 =	simm.s32 @!p0 $0x1BF5;
	p2 =	por !p2, p0  }
0x20: {  	[sflag:s8] =	ssyncset.s32 @!p0 $0xFFFFF086;
	s6 =	sadd.s32 @!p0 s3, s7;
	s7 =	simm.s32 @!p0 $0x108  }
0x21: {  	s3 =	sadd.s32 s3, s9;
	s6 =	sadd.s32 @!p0 $0x88, s6;
	s7 =	simm.s32 @p2 $0x1082  }
0x22: {  	[simem:s7], [sflag:s8] =	dma.local @!p0 [hbm:s6], $0xF7A  }
0x23: {  	s9 =	sor.u32 $0xD0000000, s2;
	s6 =	simm.s32 $0x108;
	_ =	swait.ge @!p0 [sflag:s8], $0x0  }
0x24: {  	s3 =	sadd.s32 $0x88, s3;
	s6 =	simm.s32 @!p1 $0x1082;
	[sflag:s4] =	ssyncset.s32 $0xFFFFF086  }
0x25: {  	[simem:s6], [sflag:s4] =	dma.local [hbm:s3], $0xF7A  }
0x26: {  	[smem:$0x3F97] =	sst s1;
	(tag) =	ssettag s2;
	_ =	strace s9  }
0x27: {  	s1 =	sld [smem:$0x3FA7]  }
0x28: {  	s2 =	sld [smem:$0x3FA8]  }
0x29: {  	s4 =	sld [smem:$0x3FAA]  }
0x2a: {  	p0 =	seq.s32 s5, $0x0;
	s5 =	sld [smem:$0x3FAB]  }
0x2b: {  	s6 =	sld [smem:$0x3FAC]  }
0x2c: {  	s7 =	sld [smem:$0x3FAD]  }
0x2d: {  	s3 =	simm.s32 $0x108;
	s8 =	sld [smem:$0x3FAE]  }
0x2e: {  	s3 =	simm.s32 @!p0 $0x1082;
	s9 =	sld [smem:$0x3FAF]  }
0x2f: {  	lr =	sadd.s32 s0, s3;
	s0 =	sld [smem:$0x3FA6]  }
0x30: {  	s3 =	sld [smem:$0x3FA9]  }
0x31: {  	[smem:$0x3FB2] =	sst s10  }
0x32: {  	s10 =	sld [smem:$0x3FB0];
	_ =	sdelay $0x3  }
0x33: {  	p0 =	seq.s32 s10, $0x1;
	s10 =	sld [smem:$0x3FB2];
	_ =	sdelay $0x3  }
0x34: {  	[smem:$0x3FB2] =	sst s10  }
0x35: {  	s10 =	sld [smem:$0x3FB1];
	_ =	sdelay $0x3  }
0x36: {  	p1 =	seq.s32 s10, $0x1;
	s10 =	sld [smem:$0x3FB2];
	_ =	sdelay $0x3  }
0x37: {  	[smem:$0x3FB2] =	sst s10  }
0x38: {  	s10 =	sld [smem:$0x3FB3]  }
0x39: {  	_ = 	snop;
	(pc) =	sbr.ind lr, $3  }
0x3a: {  	_ = 	snop  }
0x3b: {  	_ = 	snop  }
0x3c: {  	p2 =	seq.s32 s10, $0x1;
	s10 =	sld [smem:$0x3FB2]  }
0x3d: {  	_ =	shalt  }
0x3e: {  	_ =	shalt  }
0x3f: {  	_ =	shalt  }
0x40: {  	_ =	shalt  }
0x41: {  	_ =	shalt  }
0x42: {  	_ =	shalt  }
0x43: {  	_ =	shalt  }
0x44: {  	_ =	shalt  }
0x45: {  	_ =	shalt  }
0x46: {  	_ =	shalt  }
0x47: {  	_ =	shalt  }
0x48: {  	_ =	shalt  }
0x49: {  	_ =	shalt  }
0x4a: {  	_ =	shalt  }
0x4b: {  	_ =	shalt  }
0x4c: {  	_ =	shalt  }
0x4d: {  	_ =	shalt  }
0x4e: {  	_ =	shalt  }
0x4f: {  	_ =	shalt  }
0x50: {  	_ =	shalt  }
0x51: {  	_ =	shalt  }
0x52: {  	_ =	shalt  }
0x53: {  	_ =	shalt  }
0x54: {  	_ =	shalt  }
0x55: {  	_ =	shalt  }
0x56: {  	_ =	shalt  }
0x57: {  	_ =	shalt  }
0x58: {  	_ =	shalt  }
0x59: {  	_ =	shalt  }
0x5a: {  	_ =	shalt  }
0x5b: {  	_ =	shalt  }
0x5c: {  	_ =	shalt  }
0x5d: {  	_ =	shalt  }
0x5e: {  	_ =	shalt  }
0x5f: {  	_ =	shalt  }
0x60: {  	_ =	shalt  }
0x61: {  	_ =	shalt  }
0x62: {  	_ =	shalt  }
0x63: {  	_ =	shalt  }
0x64: {  	_ =	shalt  }
0x65: {  	_ =	shalt  }
0x66: {  	_ =	shalt  }
0x67: {  	_ =	shalt  }
0x68: {  	_ =	shalt  }
0x69: {  	_ =	shalt  }
0x6a: {  	_ =	shalt  }
0x6b: {  	_ =	shalt  }
0x6c: {  	_ =	shalt  }
0x6d: {  	_ =	shalt  }
0x6e: {  	_ =	shalt  }
0x6f: {  	_ =	shalt  }
0x70: {  	_ =	shalt  }
0x71: {  	_ =	shalt  }
0x72: {  	_ =	shalt  }
0x73: {  	_ =	shalt  }
0x74: {  	_ =	shalt  }
0x75: {  	_ =	shalt  }
0x76: {  	_ =	shalt  }
0x77: {  	_ =	shalt  }
0x78: {  	_ =	shalt  }
0x79: {  	_ =	shalt  }
0x7a: {  	_ =	shalt  }
0x7b: {  	_ =	shalt  }
0x7c: {  	_ =	shalt  }
0x7d: {  	_ =	shalt  }
0x7e: {  	_ =	shalt  }
0x7f: {  	_ =	shalt  }
0x80: {  	_ =	shalt  }
0x81: {  	_ =	shalt  }
0x82: {  	_ =	shalt  }
0x83: {  	_ =	shalt  }
0x84: {  	_ =	shalt  }
0x85: {  	_ =	shalt  }
0x86: {  	_ =	shalt  }
0x87: {  	_ =	shalt  }
.Lfunc_end0:
.L_simem_size_0:
called_computation_lowered:
.L_overlay_start_0:
0x88: {  	s2 =	sld [smem:$0x3FD9]  }
0x89: {  	s3 =	sld [smem:$0x3FFE];
	_ =	sdelay $0x1  }
0x8a: {  	s1 =	srdreg.scid  }
0x8b: {  	s0 =	sand.u32 $0x1, s1  }
0x8c: {  	s17 =	sshll.u32 s0, $0xA;
	s2 =	sadd.s32 s3, s2  }
0x8d: {  	s2 =	sadd.s32 s2, s17  }
0x8e: {  	[smem:$0x3FBE] =	sst s2  }
0x8f: {  	_ = 	snop  }
0x90: {  	s2 =	sld [smem:$0x3FD0];
	(tm) =	ssettm $0x1  }
0x91: {  	s18 =	sld [smem:$0x3FFB];
	_ =	sdelay $0x3  }
0x92: {  	_ =	strace s18  }
0x93: {  	s3 =	sld [smem:$0x3FFC];
	_ =	sdelay $0x3  }
0x94: {  	_ =	strace s3  }
0x95: {  	s3 =	sld [smem:$0x3FFD];
	_ =	sdelay $0x3  }
0x96: {  	_ =	strace s3  }
0x97: {  	_ =	strace $0x8FFFFFFF  }
0x98: {  	s19 =	sld [smem:$0x3FDB];
	_ =	sdelay $0x1  }
0x99: {  	s4 =	simm.s32 $_scs_section_size  }
0x9a: {  	s5 =	simm.s32 $_size__tile_overlayer_lowered;
	s6 =	simm.s32 $_tile_overlayer_lowered  }
0x9b: {  	s22 =	simm.s32 $0x1BFF;
	s21 =	sshll.u32 s6, $0x1;
	s3 =	sadd.s32 s4, s19  }
0x9c: {  	s7 =	simm.s32 $0x0;
	s20 =	sshll.u32 s5, $0x1;
	s5 =	sadd.s32 s21, s3  }
0x9d: {  	[timem:s7], [sflag:s22] =	dma.local [hbm:s5], s20  }
0x9e: {  	_ =	swait.ge [sflag:s22], s20  }
0x9f: {  	s4 =	ssub.s32 $0x0, s20;
	[sflag:s22] =	ssyncset.done $0x0  }
0xa0: {  	[sflag:s22] =	ssyncadd.s32 s4;
	_ =	sdelay $0x1  }
0xa1: {  	s23 =	simm.s32 $0x1B8B  }
0xa2: {  	_ =	swait.ge [sflag:s23], $0x1  }
0xa3: {  	[sflag:s23] =	ssyncset.done $0x0  }
0xa4: {  	s25 =	simm.s32 $0x1B8E;
	s24 =	sld [smem:$0x3FFE];
	[sflag:s23] =	ssyncadd.s32 $0xFFFFFFFF  }
0xa5: {  	s26 =	simm.s32 $execute0_lowered;
	[smem:$0x3FD2] =	sst s25  }
0xa6: {  	s5 =	sshll.u32 s26, $0x1;
	_ =	strace $0x80000046;
	[dreg:$0x1] =	wrdreg $0xFFFFFFFF  }
0xa7: {  	s28 =	simm.s32 $_size_execute0_lowered;
	s3 =	sadd.s32 s3, s5;
	[dreg:$0x0] =	wrdreg $0x0  }
0xa8: {  	s5 =	sshll.u32 s28, $0x1;
	[dreg:$0x2] =	wrdreg s3  }
0xa9: {  	[dreg:$0x3] =	wrdreg s5  }
0xaa: {  	[dreg:$0x4] =	wrdreg $0xC0  }
0xab: {  	_ =	task [dreg:s7], $0x5FFFF  }
0xac: {  	[dreg:$0x1] =	wrdreg $0xFFFFFFFF  }
0xad: {  	[dreg:$0x0] =	wrdreg $0x60  }
0xae: {  	[dreg:$0x2] =	wrdreg s24  }
0xaf: {  	[dreg:$0x3] =	wrdreg s2  }
0xb0: {  	[dreg:$0x4] =	wrdreg $0x68000  }
0xb1: {  	[dreg:$0x5] =	wrdreg $0x9  }
0xb2: {  	_ =	task.clear_ibuf [dreg:s7], $0x6FFFF;
	_ =	strace $0x90000046  }
0xb3: {  	s29 =	simm.s32 $0x9;
	_ =	strace $0x80000048  }
0xb4: {  	_ =	swait.ge [sflag:s29], $0x1  }
0xb5: {  	[sflag:s29] =	ssyncadd.s32 $0xFFFFFFFF  }
0xb6: {  	_ =	strace $0x90000048  }
0xb7: {  	_ =	sfence  }
0xb8: {  	s30 =	sld [smem:$0x0];
	_ =	sdelay $0x2  }
0xb9: {  	s31 =	sshll.u32 s1, $0xD;
	s1 =	sshrl.u32 s1, $0x2  }
0xba: {  	s3 =	sand.u32 $0x4000, s31;
	s1 =	sadd.s32 s1, s30  }
0xbb: {  	s0 =	sor.u32 s3, s0;
	s1 =	sshll.u32 s1, $0x11  }
0xbc: {  	s0 =	sor.u32 s1, s0  }
0xbd: {  	s0 =	sadd.s32 $0x8F2B, s0  }
0xbe: {  	[sflag:s0] =	ssyncadd.remote.s32 $0x1  }
0xbf: {  	_ =	sfence.sel $0xFFFF  }
0xc0: {  	[dreg:$0x0] =	wrdreg $0xFFFFFFFF;
	(pc) =	sbr.abs _section_cstart, $3  }
0xc1: {  	[dreg:$0x1] =	wrdreg $0xFFFFFFFF  }
0xc2: {  	_ =	task.clear_ibuf [dreg:s7], $0x2FFFF;
	_ =	strace $0x9FFFFFFF  }
0xc3: {  	(tm) =	ssettm $0x7FFFFFFF  }
tec
execute0_lowered:
.L_overlay_start_1:
0x0: {  	(tag) =	ssettag $0x1  }
0x1: {  	s6 =	rddreg [dreg:$0x0]  }
0x2: {  	s2 =	rddreg [dreg:$0x1];
	s0 =	srdreg.scid  }
0x3: {  	s3 =	rddreg [dreg:$0x2];
	s1 =	stileid.u32;
	s4 =	simm.s32 $0x0  }
0x4: {  	s13 =	simm.s32 $0x50;
	s7 =	sand.u32 $0x1, s0;
	s0 =	rddreg [dreg:$0x3]  }
0x5: {  	s14 =	simm.s32 $0x0;
	s8 =	smul.u32 $0xA000, s1;
	[smem:$0x7FF] =	sst s4  }
0x6: {  	s9 =	sshll.u32 s1, $0xB;
	s10 =	smul.u32 $0x28000, s1;
	s31 =	sshll.u32 s1, $0x6  }
0x7: {  	s5 =	smul.u32 $0x140000, s7;
	_ =	strace $0x80000047;
	s28 =	ssub.s32 $0x2, s7  }
0x8: {  	s9 =	sadd.s32 s9, s6;
	s7 =	sshll.u32 s7, $0xF;
	s11 =	sshrl.u32 s28, $0x1  }
0x9: {  	s7 =	sadd.s32 s7, s9;
	s29 =	sshrl.u32 s10, $0x2;
	s9 =	simm.s32 $0x1  }
0xa: {  	s10 =	simm.s32 $0x4000;
	s8 =	sadd.s32 s8, s5;
	s5 =	sadd.s32 $0x25800, s6  }
0xb: {  	s30 =	ssub.s32 s28, s11;
	s12 =	sadd.s32 s29, s3;
	s8 =	sshrl.u32 s8, $0x3  }
0xc: {  	s11 =	sor.u32 $0x1C01, s31;
	s12 =	sshrl.u32 s12, $0x3;
	s8 =	sadd.s32 s8, s6  }
0xd: {  	s6 =	sadd.s32 $0x15800, s7;
	s7 =	sadd.s32 $0x26C00, s8;
	s8 =	smax.u32 s30, $0x1  }
.LBB2_1:
0xe: {  	[tilespmem:s4], [sflag:$0x1] =	stream.linear.gather [hbm4b:s6+s4], $0x3E80, $0x38;
	[tilespmem:$0x9000] =	vst v63  }
0xf: {  	_ =	swait.ge [sflag:s9], $0x3E80  }
0x10: {  	[sflag:s9] =	ssyncset.done $0x0  }
0x11: {  	[sflag:s9] =	ssyncadd.s32 $0xFFFFC180  }
0x12: {  	[tilespmem:s10], [sflag:$0x1] =	stream.linear.gather [hbm4b:s2+s4], $0x2800, $0x38;
	[tilespmem:$0x9000] =	vst v63  }
0x13: {  	_ =	swait.ge [sflag:s9], $0x2800  }
0x14: {  	[sflag:s9] =	ssyncset.done $0x0  }
0x15: {  	[sflag:s9] =	ssyncadd.s32 $0xFFFFD800  }
0x16: {  	[spmem:s12], [sflag:s11] =	dma.local [hbm:s5], $0x1400  }
0x17: {  	_ =	swait.ge [sflag:s9], $0x1400  }
0x18: {  	[sflag:s9] =	ssyncset.done $0x0  }
0x19: {  	[sflag:s9] =	ssyncadd.s32 $0xFFFFEC00  }
0x1a: {  	s15 =	simm.s32 $0x0;
	[bflag:$0x0] =	sbarrier.arrive $0xFFFF  }
0x1b: {  	[spmem:s3] =	stream.indirect.scatter.add.f32 [tilespmem:s10], [sflag:$0x1], $0x10, s15, s13, $0xb8;
	[tilespmem:$0x9000] =	vst v63  }
0x1c: {  	_ =	swait.ge [sflag:s9], $0x500  }
0x1d: {  	s15 =	simm.s32 $0x200;
	[sflag:s9] =	ssyncset.done $0x0  }
.LBB2_2:
0x1e: {  	s16 =	sshra.s32 s15, $0x2;
	[sflag:s9] =	ssyncadd.s32 $0xFFFFFB00;
	p0 =	sne.s32 s15, $0xF800  }
0x1f: {  	[spmem:s3] =	stream.indirect.scatter.add.f32 [tilespmem:s10], [sflag:$0x1], $0x10, s16, s13, $0xb8;
	[tilespmem:$0x9000] =	vst v63  }
.Ltmp0:
0x20: {  	_ = 	snop;
	(pc) =	sbr.rel @p0 .LBB2_2-.Ltmp0, $4  }
0x21: {  	_ = 	snop  }
0x22: {  	s15 =	sadd.s32 $0x200, s15  }
0x23: {  	_ =	swait.ge [sflag:s9], $0x500  }
0x24: {  	[sflag:s9] =	ssyncset.done $0x0  }
0x25: {  	s14 =	sadd.s32 $0x1, s14  }
0x26: {  	[sflag:s9] =	ssyncadd.s32 $0xFFFFFB00;
	p0 =	sne.s32 s14, s8  }
.Ltmp1:
0x27: {  	[bflag:$0x0] =	sbarrier.arrive $0xFFFF;
	(pc) =	sbr.rel @p0 .LBB2_1-.Ltmp1, $4  }
0x28: {  	[hbm:s7], [sflag:s11] =	dma.local [spmem:s12], $0x1400  }
0x29: {  	_ =	swait.ge [sflag:s9], $0x1400  }
0x2a: {  	[sflag:s9] =	ssyncset.done $0x0  }
0x2b: {  	[sflag:s9] =	ssyncadd.s32 $0xFFFFEC00  }
0x2c: {  	_ =	sfence.sel $0x180000  }
0x2d: {  	[bflag:$0x0] =	sbarrier.arrive $0xFFFF  }
0x2e: {  	p0 =	sne.s32 s1, $0x0;
	_ =	strace $0x90000047  }
0x2f: {  	s0 =	sadd.s32 @!p0 $0x100000, s0;
	[bflag:$0x2] =	sbarrier.arrive $0xFFFF  }
0x30: {  	[sflag:s0] =	ssyncadd.tile.s32 @!p0 $0x1;
	_ =	shalt  }
.Lfunc_end2:
_tile_overlayer_lowered:
.L_overlay_start_2:
0x31: {  	(tag) =	ssettag $0x2  }
0x32: {  	s0 =	rddreg [dreg:$0x0];
	s2 =	stileid.u32  }
0x33: {  	s1 =	rddreg [dreg:$0x1];
	p0 =	sne.s32 s2, $0x0  }
0x34: {  	s3 =	rddreg [dreg:$0x2];
	[bflag:$0x3] =	sbarrier.arrive $0xFFFF;
	s2 =	simm.s32 @!p0 $0x1C01  }
0x35: {  	[timem:s3], [sflag:s2] =	dma.local @!p0 [hbm:s0], s1  }
0x36: {  	s0 =	simm.s32 @!p0 $0x1  }
0x37: {  	_ =	swait.ge @!p0 [sflag:s0], s1  }
0x38: {  	s1 =	ssub.s32 @!p0 $0x0, s1;
	[sflag:s0] =	ssyncset.done @!p0 $0x0  }
0x39: {  	[sflag:s0] =	ssyncadd.s32 @!p0 s1  }
0x3a: {  	[bflag:$0x3] =	sbarrier.arrive $0xFFFF  }
0x3b: {  	_ =	shalt  }

// kernel: kernel.14.cloned.1.call-start
scs
__scs_entry_jumppad:
0x0: {  	(pc) =	sbr.rel $0x88, $3  }
0x1: {  	(tag) =	ssettag $0x0;
	lr =	simm.s32 $0x1  }
0x2: {  	[smem:$0x3F97] =	sst lr;
	_ =	strace $0xD0000000  }
0x3: {  	_ = 	snop  }
0x4: {  	_ = 	snop  }
0x5: {  	_ = 	snop  }
0x6: {  	_ = 	snop  }
0x7: {  	_ = 	snop  }
__scs_overlays_trampoline_lowered:
0x8: {  	[smem:$0x3FA6] =	sst s0  }
0x9: {  	[smem:$0x3FA7] =	sst s1  }
0xa: {  	[smem:$0x3FA8] =	sst s2  }
0xb: {  	[smem:$0x3FA9] =	sst s3  }
0xc: {  	[smem:$0x3FAA] =	sst s4  }
0xd: {  	[smem:$0x3FAB] =	sst s5  }
0xe: {  	[smem:$0x3FAC] =	sst s6  }
0xf: {  	[smem:$0x3FAD] =	sst s7  }
0x10: {  	[smem:$0x3FAE] =	sst s8  }
0x11: {  	[smem:$0x3FAF] =	sst s9;
	s0 =	simm.s32 @!p0 $0x0  }
0x12: {  	s1 =	sld [smem:$0x3F95];
	s0 =	simm.s32 @p0 $0x1  }
0x13: {  	[smem:$0x3FB0] =	sst s0;
	s0 =	simm.s32 @!p1 $0x0  }
0x14: {  	s2 =	sld [smem:$0x3F94];
	s0 =	simm.s32 @p1 $0x1  }
0x15: {  	[smem:$0x3FB1] =	sst s0;
	s0 =	simm.s32 @!p2 $0x0  }
0x16: {  	s3 =	sld [smem:$0x3FDB];
	s0 =	simm.s32 @p2 $0x1  }
0x17: {  	s4 =	simm.s32 $0x1BF5;
	[smem:$0x3FB3] =	sst s0  }
0x18: {  	s0 =	sld [smem:$0x3F96];
	_ =	swait.ge [sflag:s4], $0x0  }
0x19: {  	s7 =	sld [smem:$0x3F97]  }
0x1a: {  	s8 =	sadd.s32 $0xFFFFE003, lr  }
0x1b: {  	s9 =	sadd.s32 $0xFFFFFEF7, lr;
	s5 =	simm.s32 $0xFFFFFFFF;
	p2 =	slt.u32 s8, $0xFFFFF086  }
0x1c: {  	p1 =	slt.u32 s9, $0xF7A;
	s5 =	simm.s32 @!p2 $0x0  }
0x1d: {  	s5 =	simm.s32 @p1 $0x1;
	p0 =	seq.s32 s7, s2  }
0x1e: {  	s7 =	smul.u32 @!p0 $0xF7A, s2;
	p2 =	seq.s32 @!p0 s5, $0x0  }
0x1f: {  	s9 =	smul.u32 $0xF7A, s1;
	s8 =	simm.s32 @!p0 $0x1BF5;
	p2 =	por !p2, p0  }
0x20: {  	[sflag:s8] =	ssyncset.s32 @!p0 $0xFFFFF086;
	s6 =	sadd.s32 @!p0 s3, s7;
	s7 =	simm.s32 @!p0 $0x108  }
0x21: {  	s3 =	sadd.s32 s3, s9;
	s6 =	sadd.s32 @!p0 $0x88, s6;
	s7 =	simm.s32 @p2 $0x1082  }
0x22: {  	[simem:s7], [sflag:s8] =	dma.local @!p0 [hbm:s6], $0xF7A  }
0x23: {  	s9 =	sor.u32 $0xD0000000, s2;
	s6 =	simm.s32 $0x108;
	_ =	swait.ge @!p0 [sflag:s8], $0x0  }
0x24: {  	s3 =	sadd.s32 $0x88, s3;
	s6 =	simm.s32 @!p1 $0x1082;
	[sflag:s4] =	ssyncset.s32 $0xFFFFF086  }
0x25: {  	[simem:s6], [sflag:s4] =	dma.local [hbm:s3], $0xF7A  }
0x26: {  	[smem:$0x3F97] =	sst s1;
	(tag) =	ssettag s2;
	_ =	strace s9  }
0x27: {  	s1 =	sld [smem:$0x3FA7]  }
0x28: {  	s2 =	sld [smem:$0x3FA8]  }
0x29: {  	s4 =	sld [smem:$0x3FAA]  }
0x2a: {  	p0 =	seq.s32 s5, $0x0;
	s5 =	sld [smem:$0x3FAB]  }
0x2b: {  	s6 =	sld [smem:$0x3FAC]  }
0x2c: {  	s7 =	sld [smem:$0x3FAD]  }
0x2d: {  	s3 =	simm.s32 $0x108;
	s8 =	sld [smem:$0x3FAE]  }
0x2e: {  	s3 =	simm.s32 @!p0 $0x1082;
	s9 =	sld [smem:$0x3FAF]  }
0x2f: {  	lr =	sadd.s32 s0, s3;
	s0 =	sld [smem:$0x3FA6]  }
0x30: {  	s3 =	sld [smem:$0x3FA9]  }
0x31: {  	[smem:$0x3FB2] =	sst s10  }
0x32: {  	s10 =	sld [smem:$0x3FB0];
	_ =	sdelay $0x3  }
0x33: {  	p0 =	seq.s32 s10, $0x1;
	s10 =	sld [smem:$0x3FB2];
	_ =	sdelay $0x3  }
0x34: {  	[smem:$0x3FB2] =	sst s10  }
0x35: {  	s10 =	sld [smem:$0x3FB1];
	_ =	sdelay $0x3  }
0x36: {  	p1 =	seq.s32 s10, $0x1;
	s10 =	sld [smem:$0x3FB2];
	_ =	sdelay $0x3  }
0x37: {  	[smem:$0x3FB2] =	sst s10  }
0x38: {  	s10 =	sld [smem:$0x3FB3]  }
0x39: {  	_ = 	snop;
	(pc) =	sbr.ind lr, $3  }
0x3a: {  	_ = 	snop  }
0x3b: {  	_ = 	snop  }
0x3c: {  	p2 =	seq.s32 s10, $0x1;
	s10 =	sld [smem:$0x3FB2]  }
0x3d: {  	_ =	shalt  }
0x3e: {  	_ =	shalt  }
0x3f: {  	_ =	shalt  }
0x40: {  	_ =	shalt  }
0x41: {  	_ =	shalt  }
0x42: {  	_ =	shalt  }
0x43: {  	_ =	shalt  }
0x44: {  	_ =	shalt  }
0x45: {  	_ =	shalt  }
0x46: {  	_ =	shalt  }
0x47: {  	_ =	shalt  }
0x48: {  	_ =	shalt  }
0x49: {  	_ =	shalt  }
0x4a: {  	_ =	shalt  }
0x4b: {  	_ =	shalt  }
0x4c: {  	_ =	shalt  }
0x4d: {  	_ =	shalt  }
0x4e: {  	_ =	shalt  }
0x4f: {  	_ =	shalt  }
0x50: {  	_ =	shalt  }
0x51: {  	_ =	shalt  }
0x52: {  	_ =	shalt  }
0x53: {  	_ =	shalt  }
0x54: {  	_ =	shalt  }
0x55: {  	_ =	shalt  }
0x56: {  	_ =	shalt  }
0x57: {  	_ =	shalt  }
0x58: {  	_ =	shalt  }
0x59: {  	_ =	shalt  }
0x5a: {  	_ =	shalt  }
0x5b: {  	_ =	shalt  }
0x5c: {  	_ =	shalt  }
0x5d: {  	_ =	shalt  }
0x5e: {  	_ =	shalt  }
0x5f: {  	_ =	shalt  }
0x60: {  	_ =	shalt  }
0x61: {  	_ =	shalt  }
0x62: {  	_ =	shalt  }
0x63: {  	_ =	shalt  }
0x64: {  	_ =	shalt  }
0x65: {  	_ =	shalt  }
0x66: {  	_ =	shalt  }
0x67: {  	_ =	shalt  }
0x68: {  	_ =	shalt  }
0x69: {  	_ =	shalt  }
0x6a: {  	_ =	shalt  }
0x6b: {  	_ =	shalt  }
0x6c: {  	_ =	shalt  }
0x6d: {  	_ =	shalt  }
0x6e: {  	_ =	shalt  }
0x6f: {  	_ =	shalt  }
0x70: {  	_ =	shalt  }
0x71: {  	_ =	shalt  }
0x72: {  	_ =	shalt  }
0x73: {  	_ =	shalt  }
0x74: {  	_ =	shalt  }
0x75: {  	_ =	shalt  }
0x76: {  	_ =	shalt  }
0x77: {  	_ =	shalt  }
0x78: {  	_ =	shalt  }
0x79: {  	_ =	shalt  }
0x7a: {  	_ =	shalt  }
0x7b: {  	_ =	shalt  }
0x7c: {  	_ =	shalt  }
0x7d: {  	_ =	shalt  }
0x7e: {  	_ =	shalt  }
0x7f: {  	_ =	shalt  }
0x80: {  	_ =	shalt  }
0x81: {  	_ =	shalt  }
0x82: {  	_ =	shalt  }
0x83: {  	_ =	shalt  }
0x84: {  	_ =	shalt  }
0x85: {  	_ =	shalt  }
0x86: {  	_ =	shalt  }
0x87: {  	_ =	shalt  }
.Lfunc_end0:
.L_simem_size_0:
called_computation.1_lowered:
.L_overlay_start_0:
0x88: {  	s2 =	sld [smem:$0x3FD9]  }
0x89: {  	s3 =	sld [smem:$0x3FFE];
	_ =	sdelay $0x1  }
0x8a: {  	s1 =	srdreg.scid  }
0x8b: {  	s0 =	sand.u32 $0x1, s1  }
0x8c: {  	s16 =	sshll.u32 s0, $0xA;
	s2 =	sadd.s32 s3, s2  }
0x8d: {  	s2 =	sadd.s32 s2, s16  }
0x8e: {  	[smem:$0x3FBE] =	sst s2  }
0x8f: {  	_ = 	snop  }
0x90: {  	(tm) =	ssettm $0x1  }
0x91: {  	s17 =	sld [smem:$0x3FFB];
	_ =	sdelay $0x3  }
0x92: {  	_ =	strace s17  }
0x93: {  	s2 =	sld [smem:$0x3FFC];
	_ =	sdelay $0x3  }
0x94: {  	_ =	strace s2  }
0x95: {  	s2 =	sld [smem:$0x3FFD];
	_ =	sdelay $0x3  }
0x96: {  	_ =	strace s2  }
0x97: {  	_ =	strace $0x8FFFFFFF  }
0x98: {  	s18 =	sld [smem:$0x3FDB];
	_ =	sdelay $0x1  }
0x99: {  	s19 =	simm.s32 $_scs_section_size  }
0x9a: {  	s4 =	simm.s32 $_size__tile_overlayer_lowered;
	s5 =	simm.s32 $_tile_overlayer_lowered  }
0x9b: {  	s22 =	simm.s32 $0x1BFF;
	s21 =	sshll.u32 s5, $0x1;
	s2 =	sadd.s32 s19, s18  }
0x9c: {  	s6 =	simm.s32 $0x0;
	s20 =	sshll.u32 s4, $0x1;
	s4 =	sadd.s32 s21, s2  }
0x9d: {  	[timem:s6], [sflag:s22] =	dma.local [hbm:s4], s20  }
0x9e: {  	_ =	swait.ge [sflag:s22], s20  }
0x9f: {  	s3 =	ssub.s32 $0x0, s20;
	[sflag:s22] =	ssyncset.done $0x0  }
0xa0: {  	[sflag:s22] =	ssyncadd.s32 s3;
	_ =	sdelay $0x1  }
0xa1: {  	s23 =	simm.s32 $0x1B8B  }
0xa2: {  	_ =	swait.ge [sflag:s23], $0x1  }
0xa3: {  	[sflag:s23] =	ssyncset.done $0x0  }
0xa4: {  	s25 =	simm.s32 $0x1B8E;
	s24 =	sld [smem:$0x3FFE];
	[sflag:s23] =	ssyncadd.s32 $0xFFFFFFFF  }
0xa5: {  	s26 =	simm.s32 $execute0_lowered;
	[smem:$0x3FD2] =	sst s25  }
0xa6: {  	s4 =	sshll.u32 s26, $0x1;
	_ =	strace $0x80000049;
	[dreg:$0x1] =	wrdreg $0xFFFFFFFF  }
0xa7: {  	s28 =	simm.s32 $_size_execute0_lowered;
	s2 =	sadd.s32 s2, s4;
	[dreg:$0x0] =	wrdreg $0x0  }
0xa8: {  	s4 =	sshll.u32 s28, $0x1;
	[dreg:$0x2] =	wrdreg s2  }
0xa9: {  	[dreg:$0x3] =	wrdreg s4  }
0xaa: {  	[dreg:$0x4] =	wrdreg $0xC0  }
0xab: {  	_ =	task [dreg:s6], $0x5FFFF  }
0xac: {  	[dreg:$0x1] =	wrdreg $0xFFFFFFFF  }
0xad: {  	[dreg:$0x0] =	wrdreg $0x60  }
0xae: {  	[dreg:$0x2] =	wrdreg s24  }
0xaf: {  	[dreg:$0x3] =	wrdreg $0x76200  }
0xb0: {  	[dreg:$0x4] =	wrdreg $0x9  }
0xb1: {  	_ =	task.clear_ibuf [dreg:s6], $0x5FFFF;
	_ =	strace $0x90000049  }
0xb2: {  	s29 =	simm.s32 $0x9;
	_ =	strace $0x8000004B  }
0xb3: {  	_ =	swait.ge [sflag:s29], $0x1  }
0xb4: {  	[sflag:s29] =	ssyncadd.s32 $0xFFFFFFFF  }
0xb5: {  	_ =	strace $0x9000004B  }
0xb6: {  	_ =	sfence  }
0xb7: {  	s30 =	sld [smem:$0x0];
	_ =	sdelay $0x2  }
0xb8: {  	s31 =	sshll.u32 s1, $0xD;
	s1 =	sshrl.u32 s1, $0x2  }
0xb9: {  	s3 =	sand.u32 $0x4000, s31;
	s1 =	sadd.s32 s1, s30  }
0xba: {  	s0 =	sor.u32 s3, s0;
	s1 =	sshll.u32 s1, $0x11  }
0xbb: {  	s0 =	sor.u32 s1, s0  }
0xbc: {  	s0 =	sadd.s32 $0x8F2B, s0  }
0xbd: {  	[sflag:s0] =	ssyncadd.remote.s32 $0x1  }
0xbe: {  	_ =	sfence.sel $0xFFFF  }
0xbf: {  	[dreg:$0x0] =	wrdreg $0xFFFFFFFF;
	(pc) =	sbr.abs _section_cstart, $3  }
0xc0: {  	[dreg:$0x1] =	wrdreg $0xFFFFFFFF  }
0xc1: {  	_ =	task.clear_ibuf [dreg:s6], $0x2FFFF;
	_ =	strace $0x9FFFFFFF  }
0xc2: {  	(tm) =	ssettm $0x7FFFFFFF  }
0xc3: {  	_ =	shalt  }
tec
execute0_lowered:
.L_overlay_start_1:
0x0: {  	(tag) =	ssettag $0x1  }
0x1: {  	s6 =	rddreg [dreg:$0x0]  }
0x2: {  	s0 =	srdreg.scid;
	s2 =	rddreg [dreg:$0x1]  }
0x3: {  	s3 =	simm.s32 $0x0;
	s14 =	simm.s32 $0x50;
	s15 =	simm.s32 $0x4E20  }
0x4: {  	s16 =	simm.s32 $0x1;
	s17 =	simm.s32 $0x6220;
	s18 =	simm.s32 $0x4DD0  }
0x5: {  	s19 =	simm.s32 $0x0;
	s5 =	sand.u32 $0x1, s0;
	s0 =	stileid.u32  }
0x6: {  	[smem:$0x7FF] =	sst s3;
	s4 =	sadd.s32 $0x15800, s6;
	s8 =	smul.u32 $0x5000, s0  }
0x7: {  	s1 =	sshll.u32 s5, $0x4;
	s9 =	smul.u32 $0xA0000, s5;
	s10 =	ssub.s32 $0x2, s5  }
0x8: {  	s5 =	sadd.s32 $0x29800, s6;
	s12 =	sshll.u32 s0, $0x6;
	s1 =	sor.u32 s0, s1  }
0x9: {  	s11 =	sshrl.u32 s10, $0x1;
	s12 =	sor.u32 $0x1C02, s12;
	s7 =	smul.u32 $0x4E2, s1  }
0xa: {  	s1 =	rddreg [dreg:$0x2];
	_ =	strace $0x8000004A;
	s9 =	sadd.s32 s8, s9  }
0xb: {  	s10 =	ssub.s32 s10, s11;
	s13 =	sadd.s32 s8, s2;
	s11 =	simm.s32 $0x2710  }
0xc: {  	s9 =	sshrl.u32 s9, $0x3;
	s13 =	sshrl.u32 s13, $0x3;
	s7 =	sadd.s32 s7, s6  }
0xd: {  	s9 =	sadd.s32 s9, s6;
	s6 =	sadd.s32 $0x1C00, s7;
	s7 =	sadd.s32 $0xBA00, s7  }
0xe: {  	s8 =	sadd.s32 $0x2A200, s9;
	s9 =	smax.u32 s10, $0x1;
	s10 =	simm.s32 $0x2  }
.LBB2_1:
0xf: {  	[tilespmem:s3], [sflag:$0x2] =	stream.linear.gather [hbm4b:s6+s3], $0x2710, $0x38;
	[tilespmem:$0x11620] =	vst v63  }
0x10: {  	_ =	swait.ge [sflag:s10], $0x2710  }
0x11: {  	[sflag:s10] =	ssyncset.done $0x0  }
0x12: {  	[sflag:s10] =	ssyncadd.s32 $0xFFFFD8F0  }
0x13: {  	[tilespmem:s11], [sflag:$0x2] =	stream.linear.gather [hbm4b:s7+s3], $0x2710, $0x38;
	[tilespmem:$0x11620] =	vst v63  }
0x14: {  	_ =	swait.ge [sflag:s10], $0x2710  }
0x15: {  	[sflag:s10] =	ssyncset.done $0x0  }
0x16: {  	[sflag:s10] =	ssyncadd.s32 $0xFFFFD8F0  }
0x17: {  	[spmem:s13], [sflag:s12] =	dma.local [hbm:s5], $0xA00  }
0x18: {  	_ =	swait.ge [sflag:s10], $0xA00  }
0x19: {  	[sflag:s10] =	ssyncset.done $0x0  }
0x1a: {  	[sflag:s10] =	ssyncadd.s32 $0xFFFFF600  }
0x1b: {  	[bflag:$0x0] =	sbarrier.arrive $0xFFFF  }
0x1c: {  	[tilespmem:s15], [sflag:$0x1] =	stream.indirect.gather [hbm4b:s4+s14], $0x40, s3, s14, $0xb8;
	[tilespmem:$0x11620] =	vst v63  }
0x1d: {  	_ =	swait.ge [sflag:s16], $0x1400  }
0x1e: {  	[sflag:s16] =	ssyncset.done $0x0  }
0x1f: {  	s20 =	simm.s32 $0x2710;
	[sflag:s16] =	ssyncadd.s32 $0xFFFFEC00  }
0x20: {  	[spmem:s2] =	stream.indirect.scatter.add.f32 [tilespmem:s15], [sflag:$0x2], $0x40, s20, s14, $0xb8;
	[tilespmem:$0x11620] =	vst v63  }
0x21: {  	_ =	swait.ge [sflag:s10], $0x1400  }
0x22: {  	[sflag:s10] =	ssyncset.done $0x0  }
0x23: {  	s31 =	simm.s32 $0x2760;
	[sflag:s10] =	ssyncadd.s32 $0xFFFFEC00  }
0x24: {  	[spmem:s2] =	stream.indirect.scatter.add.f32 [tilespmem:s17], [sflag:$0x2], $0x40, s31, s14, $0xb8;
	[tilespmem:$0x11620] =	vst v63  }
0x25: {  	_ =	swait.ge [sflag:s10], $0x1400  }
0x26: {  	s21 =	simm.s32 $0x500;
	s20 =	simm.s32 $0xA0;
	[sflag:s10] =	ssyncset.done $0x0  }
.LBB2_2:
0x27: {  	s22 =	sadd.s32 $0x2710, s20  }
0x28: {  	[sflag:s10] =	ssyncadd.s32 $0xFFFFEC00;
	s23 =	smov.u32 s21;
	s24 =	sadd.s32 $0x280, s21  }
0x29: {  	[spmem:s2] =	stream.indirect.scatter.add.f32 [tilespmem:s15], [sflag:$0x2], $0x40, s22, s14, $0xb8;
	[tilespmem:$0x11620] =	vst v63  }
0x2a: {  	p0 =	sne.s32 s21, $0x9880;
	_ =	swait.ge [sflag:s10], $0x1400  }
.Ltmp0:
0x2b: {  	[sflag:s10] =	ssyncset.done $0x0;
	(pc) =	sbr.rel @p0 .LBB2_2-.Ltmp0, $4  }
0x2c: {  	s20 =	sadd.s32 $0x2760, s20;
	[sflag:s10] =	ssyncadd.s32 $0xFFFFEC00  }
0x2d: {  	[spmem:s2] =	stream.indirect.scatter.add.f32 [tilespmem:s17], [sflag:$0x2], $0x40, s20, s14, $0xb8;
	[tilespmem:$0x11620] =	vst v63  }
0x2e: {  	_ =	swait.ge [sflag:s10], $0x1400  }
0x2f: {  	s21 =	smov.u32 s24;
	s20 =	sshra.s32 s23, $0x2;
	[sflag:s10] =	ssyncset.done $0x0  }
0x30: {  	s21 =	sadd.s32 $0x2710, s20;
	[sflag:s10] =	ssyncadd.s32 $0xFFFFEC00  }
0x31: {  	[spmem:s2] =	stream.indirect.scatter.add.f32 [tilespmem:s15], [sflag:$0x2], $0x40, s21, s14, $0xb8;
	[tilespmem:$0x11620] =	vst v63  }
0x32: {  	_ =	swait.ge [sflag:s10], $0x1400  }
0x33: {  	[sflag:s10] =	ssyncset.done $0x0  }
0x34: {  	s31 =	sadd.s32 $0x2760, s20;
	[sflag:s10] =	ssyncadd.s32 $0xFFFFEC00  }
0x35: {  	[spmem:s2] =	stream.indirect.scatter.add.f32 [tilespmem:s17], [sflag:$0x2], $0x40, s31, s14, $0xb8;
	[tilespmem:$0x11620] =	vst v63  }
0x36: {  	_ =	swait.ge [sflag:s10], $0x1400  }
0x37: {  	[sflag:s10] =	ssyncset.done $0x0  }
0x38: {  	[sflag:s10] =	ssyncadd.s32 $0xFFFFEC00  }
0x39: {  	[spmem:s2] =	stream.indirect.scatter.add.f32 [tilespmem:s15], [sflag:$0x2], $0x40, s18, s14, $0xb8;
	[tilespmem:$0x11620] =	vst v63  }
0x3a: {  	_ =	swait.ge [sflag:s10], $0x1400  }
0x3b: {  	s19 =	sadd.s32 $0x1, s19;
	[sflag:s10] =	ssyncset.done $0x0  }
0x3c: {  	p0 =	sne.s32 s19, s9;
	[sflag:s10] =	ssyncadd.s32 $0xFFFFEC00  }
.Ltmp1:
0x3d: {  	[bflag:$0x0] =	sbarrier.arrive $0xFFFF;
	(pc) =	sbr.rel @p0 .LBB2_1-.Ltmp1, $4  }
0x3e: {  	[hbm:s8], [sflag:s12] =	dma.local [spmem:s13], $0xA00  }
0x3f: {  	_ =	swait.ge [sflag:s10], $0xA00  }
0x40: {  	[sflag:s10] =	ssyncset.done $0x0  }
0x41: {  	[sflag:s10] =	ssyncadd.s32 $0xFFFFF600  }
0x42: {  	_ =	sfence.sel $0x180000  }
0x43: {  	[bflag:$0x0] =	sbarrier.arrive $0xFFFF  }
0x44: {  	p0 =	sne.s32 s0, $0x0;
	_ =	strace $0x9000004A  }
0x45: {  	s0 =	sadd.s32 @!p0 $0x100000, s1;
	[bflag:$0x2] =	sbarrier.arrive $0xFFFF  }
0x46: {  	[sflag:s0] =	ssyncadd.tile.s32 @!p0 $0x1;
	_ =	shalt  }
.Lfunc_end2:
_tile_overlayer_lowered:
.L_overlay_start_2:
0x47: {  	(tag) =	ssettag $0x2  }
0x48: {  	s0 =	rddreg [dreg:$0x0];
	s2 =	stileid.u32  }
0x49: {  	s1 =	rddreg [dreg:$0x1];
	p0 =	sne.s32 s2, $0x0  }
0x4a: {  	s3 =	rddreg [dreg:$0x2];
	[bflag:$0x3] =	sbarrier.arrive $0xFFFF;
	s2 =	simm.s32 @!p0 $0x1C02  }
0x4b: {  	[timem:s3], [sflag:s2] =	dma.local @!p0 [hbm:s0], s1  }
0x4c: {  	s0 =	simm.s32 @!p0 $0x2  }
0x4d: {  	_ =	swait.ge @!p0 [sflag:s0], s1  }
0x4e: {  	s1 =	ssub.s32 @!p0 $0x0, s1;
	[sflag:s0] =	ssyncset.done @!p0 $0x0  }
0x4f: {  	[sflag:s0] =	ssyncadd.s32 @!p0 s1  }
0x50: {  	[bflag:$0x3] =	sbarrier.arrive $0xFFFF  }
0x51: {  	_ =	shalt  }

// kernel: kernel.17.cloned.1.call-start
scs
__scs_entry_jumppad:
0x0: {  	(pc) =	sbr.rel $0x88, $3  }
0x1: {  	(tag) =	ssettag $0x0;
	lr =	simm.s32 $0x1  }
0x2: {  	[smem:$0x3F97] =	sst lr;
	_ =	strace $0xD0000000  }
0x3: {  	_ = 	snop  }
0x4: {  	_ = 	snop  }
0x5: {  	_ = 	snop  }
0x6: {  	_ = 	snop  }
0x7: {  	_ = 	snop  }
__scs_overlays_trampoline_lowered:
0x8: {  	[smem:$0x3FA6] =	sst s0  }
0x9: {  	[smem:$0x3FA7] =	sst s1  }
0xa: {  	[smem:$0x3FA8] =	sst s2  }
0xb: {  	[smem:$0x3FA9] =	sst s3  }
0xc: {  	[smem:$0x3FAA] =	sst s4  }
0xd: {  	[smem:$0x3FAB] =	sst s5  }
0xe: {  	[smem:$0x3FAC] =	sst s6  }
0xf: {  	[smem:$0x3FAD] =	sst s7  }
0x10: {  	[smem:$0x3FAE] =	sst s8  }
0x11: {  	[smem:$0x3FAF] =	sst s9;
	s0 =	simm.s32 @!p0 $0x0  }
0x12: {  	s1 =	sld [smem:$0x3F95];
	s0 =	simm.s32 @p0 $0x1  }
0x13: {  	[smem:$0x3FB0] =	sst s0;
	s0 =	simm.s32 @!p1 $0x0  }
0x14: {  	s2 =	sld [smem:$0x3F94];
	s0 =	simm.s32 @p1 $0x1  }
0x15: {  	[smem:$0x3FB1] =	sst s0;
	s0 =	simm.s32 @!p2 $0x0  }
0x16: {  	s3 =	sld [smem:$0x3FDB];
	s0 =	simm.s32 @p2 $0x1  }
0x17: {  	s4 =	simm.s32 $0x1BF5;
	[smem:$0x3FB3] =	sst s0  }
0x18: {  	s0 =	sld [smem:$0x3F96];
	_ =	swait.ge [sflag:s4], $0x0  }
0x19: {  	s7 =	sld [smem:$0x3F97]  }
0x1a: {  	s8 =	sadd.s32 $0xFFFFE003, lr  }
0x1b: {  	s9 =	sadd.s32 $0xFFFFFEF7, lr;
	s5 =	simm.s32 $0xFFFFFFFF;
	p2 =	slt.u32 s8, $0xFFFFF086  }
0x1c: {  	p1 =	slt.u32 s9, $0xF7A;
	s5 =	simm.s32 @!p2 $0x0  }
0x1d: {  	s5 =	simm.s32 @p1 $0x1;
	p0 =	seq.s32 s7, s2  }
0x1e: {  	s7 =	smul.u32 @!p0 $0xF7A, s2;
	p2 =	seq.s32 @!p0 s5, $0x0  }
0x1f: {  	s9 =	smul.u32 $0xF7A, s1;
	s8 =	simm.s32 @!p0 $0x1BF5;
	p2 =	por !p2, p0  }
0x20: {  	[sflag:s8] =	ssyncset.s32 @!p0 $0xFFFFF086;
	s6 =	sadd.s32 @!p0 s3, s7;
	s7 =	simm.s32 @!p0 $0x108  }
0x21: {  	s3 =	sadd.s32 s3, s9;
	s6 =	sadd.s32 @!p0 $0x88, s6;
	s7 =	simm.s32 @p2 $0x1082  }
0x22: {  	[simem:s7], [sflag:s8] =	dma.local @!p0 [hbm:s6], $0xF7A  }
0x23: {  	s9 =	sor.u32 $0xD0000000, s2;
	s6 =	simm.s32 $0x108;
	_ =	swait.ge @!p0 [sflag:s8], $0x0  }
0x24: {  	s3 =	sadd.s32 $0x88, s3;
	s6 =	simm.s32 @!p1 $0x1082;
	[sflag:s4] =	ssyncset.s32 $0xFFFFF086  }
0x25: {  	[simem:s6], [sflag:s4] =	dma.local [hbm:s3], $0xF7A  }
0x26: {  	[smem:$0x3F97] =	sst s1;
	(tag) =	ssettag s2;
	_ =	strace s9  }
0x27: {  	s1 =	sld [smem:$0x3FA7]  }
0x28: {  	s2 =	sld [smem:$0x3FA8]  }
0x29: {  	s4 =	sld [smem:$0x3FAA]  }
0x2a: {  	p0 =	seq.s32 s5, $0x0;
	s5 =	sld [smem:$0x3FAB]  }
0x2b: {  	s6 =	sld [smem:$0x3FAC]  }
0x2c: {  	s7 =	sld [smem:$0x3FAD]  }
0x2d: {  	s3 =	simm.s32 $0x108;
	s8 =	sld [smem:$0x3FAE]  }
0x2e: {  	s3 =	simm.s32 @!p0 $0x1082;
	s9 =	sld [smem:$0x3FAF]  }
0x2f: {  	lr =	sadd.s32 s0, s3;
	s0 =	sld [smem:$0x3FA6]  }
0x30: {  	s3 =	sld [smem:$0x3FA9]  }
0x31: {  	[smem:$0x3FB2] =	sst s10  }
0x32: {  	s10 =	sld [smem:$0x3FB0];
	_ =	sdelay $0x3  }
0x33: {  	p0 =	seq.s32 s10, $0x1;
	s10 =	sld [smem:$0x3FB2];
	_ =	sdelay $0x3  }
0x34: {  	[smem:$0x3FB2] =	sst s10  }
0x35: {  	s10 =	sld [smem:$0x3FB1];
	_ =	sdelay $0x3  }
0x36: {  	p1 =	seq.s32 s10, $0x1;
	s10 =	sld [smem:$0x3FB2];
	_ =	sdelay $0x3  }
0x37: {  	[smem:$0x3FB2] =	sst s10  }
0x38: {  	s10 =	sld [smem:$0x3FB3]  }
0x39: {  	_ = 	snop;
	(pc) =	sbr.ind lr, $3  }
0x3a: {  	_ = 	snop  }
0x3b: {  	_ = 	snop  }
0x3c: {  	p2 =	seq.s32 s10, $0x1;
	s10 =	sld [smem:$0x3FB2]  }
0x3d: {  	_ =	shalt  }
0x3e: {  	_ =	shalt  }
0x3f: {  	_ =	shalt  }
0x40: {  	_ =	shalt  }
0x41: {  	_ =	shalt  }
0x42: {  	_ =	shalt  }
0x43: {  	_ =	shalt  }
0x44: {  	_ =	shalt  }
0x45: {  	_ =	shalt  }
0x46: {  	_ =	shalt  }
0x47: {  	_ =	shalt  }
0x48: {  	_ =	shalt  }
0x49: {  	_ =	shalt  }
0x4a: {  	_ =	shalt  }
0x4b: {  	_ =	shalt  }
0x4c: {  	_ =	shalt  }
0x4d: {  	_ =	shalt  }
0x4e: {  	_ =	shalt  }
0x4f: {  	_ =	shalt  }
0x50: {  	_ =	shalt  }
0x51: {  	_ =	shalt  }
0x52: {  	_ =	shalt  }
0x53: {  	_ =	shalt  }
0x54: {  	_ =	shalt  }
0x55: {  	_ =	shalt  }
0x56: {  	_ =	shalt  }
0x57: {  	_ =	shalt  }
0x58: {  	_ =	shalt  }
0x59: {  	_ =	shalt  }
0x5a: {  	_ =	shalt  }
0x5b: {  	_ =	shalt  }
0x5c: {  	_ =	shalt  }
0x5d: {  	_ =	shalt  }
0x5e: {  	_ =	shalt  }
0x5f: {  	_ =	shalt  }
0x60: {  	_ =	shalt  }
0x61: {  	_ =	shalt  }
0x62: {  	_ =	shalt  }
0x63: {  	_ =	shalt  }
0x64: {  	_ =	shalt  }
0x65: {  	_ =	shalt  }
0x66: {  	_ =	shalt  }
0x67: {  	_ =	shalt  }
0x68: {  	_ =	shalt  }
0x69: {  	_ =	shalt  }
0x6a: {  	_ =	shalt  }
0x6b: {  	_ =	shalt  }
0x6c: {  	_ =	shalt  }
0x6d: {  	_ =	shalt  }
0x6e: {  	_ =	shalt  }
0x6f: {  	_ =	shalt  }
0x70: {  	_ =	shalt  }
0x71: {  	_ =	shalt  }
0x72: {  	_ =	shalt  }
0x73: {  	_ =	shalt  }
0x74: {  	_ =	shalt  }
0x75: {  	_ =	shalt  }
0x76: {  	_ =	shalt  }
0x77: {  	_ =	shalt  }
0x78: {  	_ =	shalt  }
0x79: {  	_ =	shalt  }
0x7a: {  	_ =	shalt  }
0x7b: {  	_ =	shalt  }
0x7c: {  	_ =	shalt  }
0x7d: {  	_ =	shalt  }
0x7e: {  	_ =	shalt  }
0x7f: {  	_ =	shalt  }
0x80: {  	_ =	shalt  }
0x81: {  	_ =	shalt  }
0x82: {  	_ =	shalt  }
0x83: {  	_ =	shalt  }
0x84: {  	_ =	shalt  }
0x85: {  	_ =	shalt  }
0x86: {  	_ =	shalt  }
0x87: {  	_ =	shalt  }
.Lfunc_end0:
.L_simem_size_0:
called_computation.2_lowered:
.L_overlay_start_0:
0x88: {  	s2 =	sld [smem:$0x3FD9]  }
0x89: {  	s3 =	sld [smem:$0x3FFE];
	_ =	sdelay $0x1  }
0x8a: {  	s1 =	srdreg.scid  }
0x8b: {  	s0 =	sand.u32 $0x1, s1  }
0x8c: {  	s16 =	sshll.u32 s0, $0xA;
	s2 =	sadd.s32 s3, s2  }
0x8d: {  	s2 =	sadd.s32 s2, s16  }
0x8e: {  	[smem:$0x3FBE] =	sst s2  }
0x8f: {  	_ = 	snop  }
0x90: {  	(tm) =	ssettm $0x1  }
0x91: {  	s17 =	sld [smem:$0x3FFB];
	_ =	sdelay $0x3  }
0x92: {  	_ =	strace s17  }
0x93: {  	s2 =	sld [smem:$0x3FFC];
	_ =	sdelay $0x3  }
0x94: {  	_ =	strace s2  }
0x95: {  	s2 =	sld [smem:$0x3FFD];
	_ =	sdelay $0x3  }
0x96: {  	_ =	strace s2  }
0x97: {  	_ =	strace $0x8FFFFFFF  }
0x98: {  	s18 =	sld [smem:$0x3FDB];
	_ =	sdelay $0x1  }
0x99: {  	s19 =	simm.s32 $_scs_section_size  }
0x9a: {  	s4 =	simm.s32 $_size__tile_overlayer_lowered;
	s5 =	simm.s32 $_tile_overlayer_lowered  }
0x9b: {  	s22 =	simm.s32 $0x1BFF;
	s21 =	sshll.u32 s5, $0x1;
	s2 =	sadd.s32 s19, s18  }
0x9c: {  	s6 =	simm.s32 $0x0;
	s20 =	sshll.u32 s4, $0x1;
	s4 =	sadd.s32 s21, s2  }
0x9d: {  	[timem:s6], [sflag:s22] =	dma.local [hbm:s4], s20  }
0x9e: {  	_ =	swait.ge [sflag:s22], s20  }
0x9f: {  	s3 =	ssub.s32 $0x0, s20;
	[sflag:s22] =	ssyncset.done $0x0  }
0xa0: {  	[sflag:s22] =	ssyncadd.s32 s3;
	_ =	sdelay $0x1  }
0xa1: {  	s23 =	simm.s32 $0x1B8B  }
0xa2: {  	_ =	swait.ge [sflag:s23], $0x1  }
0xa3: {  	[sflag:s23] =	ssyncset.done $0x0  }
0xa4: {  	s25 =	simm.s32 $0x1B8E;
	s24 =	sld [smem:$0x3FFE];
	[sflag:s23] =	ssyncadd.s32 $0xFFFFFFFF  }
0xa5: {  	s26 =	simm.s32 $execute0_lowered;
	[smem:$0x3FD2] =	sst s25  }
0xa6: {  	s4 =	sshll.u32 s26, $0x1;
	_ =	strace $0x8000004C;
	[dreg:$0x1] =	wrdreg $0xFFFFFFFF  }
0xa7: {  	s28 =	simm.s32 $_size_execute0_lowered;
	s2 =	sadd.s32 s2, s4;
	[dreg:$0x0] =	wrdreg $0x0  }
0xa8: {  	s4 =	sshll.u32 s28, $0x1;
	[dreg:$0x2] =	wrdreg s2  }
0xa9: {  	[dreg:$0x3] =	wrdreg s4  }
0xaa: {  	[dreg:$0x4] =	wrdreg $0xC0  }
0xab: {  	_ =	task [dreg:s6], $0x5FFFF  }
0xac: {  	[dreg:$0x1] =	wrdreg $0xFFFFFFFF  }
0xad: {  	[dreg:$0x0] =	wrdreg $0x60  }
0xae: {  	[dreg:$0x2] =	wrdreg s24  }
0xaf: {  	[dreg:$0x3] =	wrdreg $0x76200  }
0xb0: {  	[dreg:$0x4] =	wrdreg $0x9  }
0xb1: {  	_ =	task.clear_ibuf [dreg:s6], $0x5FFFF;
	_ =	strace $0x9000004C  }
0xb2: {  	s29 =	simm.s32 $0x9;
	_ =	strace $0x8000004E  }
0xb3: {  	_ =	swait.ge [sflag:s29], $0x1  }
0xb4: {  	[sflag:s29] =	ssyncadd.s32 $0xFFFFFFFF  }
0xb5: {  	_ =	strace $0x9000004E  }
0xb6: {  	_ =	sfence  }
0xb7: {  	s30 =	sld [smem:$0x0];
	_ =	sdelay $0x2  }
0xb8: {  	s31 =	sshll.u32 s1, $0xD;
	s1 =	sshrl.u32 s1, $0x2  }
0xb9: {  	s3 =	sand.u32 $0x4000, s31;
	s1 =	sadd.s32 s1, s30  }
0xba: {  	s0 =	sor.u32 s3, s0;
	s1 =	sshll.u32 s1, $0x11  }
0xbb: {  	s0 =	sor.u32 s1, s0  }
0xbc: {  	s0 =	sadd.s32 $0x8F2B, s0  }
0xbd: {  	[sflag:s0] =	ssyncadd.remote.s32 $0x1  }
0xbe: {  	_ =	sfence.sel $0xFFFF  }
0xbf: {  	[dreg:$0x0] =	wrdreg $0xFFFFFFFF;
	(pc) =	sbr.abs _section_cstart, $3  }
0xc0: {  	[dreg:$0x1] =	wrdreg $0xFFFFFFFF  }
0xc1: {  	_ =	task.clear_ibuf [dreg:s6], $0x2FFFF;
	_ =	strace $0x9FFFFFFF  }
0xc2: {  	(tm) =	ssettm $0x7FFFFFFF  }
0xc3: {  	_ =	shalt  }
tec
execute0_lowered:
.L_overlay_start_1:
0x0: {  	(tag) =	ssettag $0x1  }
0x1: {  	s6 =	rddreg [dreg:$0x0]  }
0x2: {  	s0 =	srdreg.scid;
	s2 =	rddreg [dreg:$0x1]  }
0x3: {  	s3 =	simm.s32 $0x0;
	s14 =	simm.s32 $0x50;
	s15 =	simm.s32 $0x4E20  }
0x4: {  	s16 =	simm.s32 $0x1;
	s17 =	simm.s32 $0x6220;
	s18 =	simm.s32 $0x4DD0  }
0x5: {  	s19 =	simm.s32 $0x0;
	s5 =	sand.u32 $0x1, s0;
	s0 =	stileid.u32  }
0x6: {  	[smem:$0x7FF] =	sst s3;
	s4 =	sadd.s32 $0x15800, s6;
	s8 =	smul.u32 $0x5000, s0  }
0x7: {  	s1 =	sshll.u32 s5, $0x4;
	s9 =	smul.u32 $0xA0000, s5;
	s10 =	ssub.s32 $0x2, s5  }
0x8: {  	s5 =	sadd.s32 $0x29800, s6;
	s12 =	sshll.u32 s0, $0x6;
	s1 =	sor.u32 s0, s1  }
0x9: {  	s11 =	sshrl.u32 s10, $0x1;
	s12 =	sor.u32 $0x1C02, s12;
	s7 =	smul.u32 $0x4E2, s1  }
0xa: {  	s1 =	rddreg [dreg:$0x2];
	_ =	strace $0x8000004D;
	s9 =	sadd.s32 s8, s9  }
0xb: {  	s10 =	ssub.s32 s10, s11;
	s13 =	sadd.s32 s8, s2;
	s11 =	simm.s32 $0x2710  }
0xc: {  	s9 =	sshrl.u32 s9, $0x3;
	s13 =	sshrl.u32 s13, $0x3;
	s7 =	sadd.s32 s7, s6  }
0xd: {  	s9 =	sadd.s32 s9, s6;
	s6 =	sadd.s32 $0x1C00, s7;
	s7 =	sadd.s32 $0xBA00, s7  }
0xe: {  	s8 =	sadd.s32 $0x2A200, s9;
	s9 =	smax.u32 s10, $0x1;
	s10 =	simm.s32 $0x2  }
.LBB2_1:
0xf: {  	[tilespmem:s3], [sflag:$0x2] =	stream.linear.gather [hbm4b:s6+s3], $0x2710, $0x38;
	[tilespmem:$0x11620] =	vst v63  }
0x10: {  	_ =	swait.ge [sflag:s10], $0x2710  }
0x11: {  	[sflag:s10] =	ssyncset.done $0x0  }
0x12: {  	[sflag:s10] =	ssyncadd.s32 $0xFFFFD8F0  }
0x13: {  	[tilespmem:s11], [sflag:$0x2] =	stream.linear.gather [hbm4b:s7+s3], $0x2710, $0x38;
	[tilespmem:$0x11620] =	vst v63  }
0x14: {  	_ =	swait.ge [sflag:s10], $0x2710  }
0x15: {  	[sflag:s10] =	ssyncset.done $0x0  }
0x16: {  	[sflag:s10] =	ssyncadd.s32 $0xFFFFD8F0  }
0x17: {  	[spmem:s13], [sflag:s12] =	dma.local [hbm:s5], $0xA00  }
0x18: {  	_ =	swait.ge [sflag:s10], $0xA00  }
0x19: {  	[sflag:s10] =	ssyncset.done $0x0  }
0x1a: {  	[sflag:s10] =	ssyncadd.s32 $0xFFFFF600  }
0x1b: {  	[bflag:$0x0] =	sbarrier.arrive $0xFFFF  }
0x1c: {  	[tilespmem:s15], [sflag:$0x1] =	stream.indirect.gather [hbm4b:s4+s14], $0x40, s3, s14, $0xb8;
	[tilespmem:$0x11620] =	vst v63  }
0x1d: {  	_ =	swait.ge [sflag:s16], $0x1400  }
0x1e: {  	[sflag:s16] =	ssyncset.done $0x0  }
0x1f: {  	s20 =	simm.s32 $0x2710;
	[sflag:s16] =	ssyncadd.s32 $0xFFFFEC00  }
0x20: {  	[spmem:s2] =	stream.indirect.scatter.add.f32 [tilespmem:s15], [sflag:$0x2], $0x40, s20, s14, $0xb8;
	[tilespmem:$0x11620] =	vst v63  }
0x21: {  	_ =	swait.ge [sflag:s10], $0x1400  }
0x22: {  	[sflag:s10] =	ssyncset.done $0x0  }
0x23: {  	s31 =	simm.s32 $0x2760;
	[sflag:s10] =	ssyncadd.s32 $0xFFFFEC00  }
0x24: {  	[spmem:s2] =	stream.indirect.scatter.add.f32 [tilespmem:s17], [sflag:$0x2], $0x40, s31, s14, $0xb8;
	[tilespmem:$0x11620] =	vst v63  }
0x25: {  	_ =	swait.ge [sflag:s10], $0x1400  }
0x26: {  	s21 =	simm.s32 $0x500;
	s20 =	simm.s32 $0xA0;
	[sflag:s10] =	ssyncset.done $0x0  }
.LBB2_2:
0x27: {  	s22 =	sadd.s32 $0x2710, s20  }
0x28: {  	[sflag:s10] =	ssyncadd.s32 $0xFFFFEC00;
	s23 =	smov.u32 s21;
	s24 =	sadd.s32 $0x280, s21  }
0x29: {  	[spmem:s2] =	stream.indirect.scatter.add.f32 [tilespmem:s15], [sflag:$0x2], $0x40, s22, s14, $0xb8;
	[tilespmem:$0x11620] =	vst v63  }
0x2a: {  	p0 =	sne.s32 s21, $0x9880;
	_ =	swait.ge [sflag:s10], $0x1400  }
.Ltmp0:
0x2b: {  	[sflag:s10] =	ssyncset.done $0x0;
	(pc) =	sbr.rel @p0 .LBB2_2-.Ltmp0, $4  }
0x2c: {  	s20 =	sadd.s32 $0x2760, s20;
	[sflag:s10] =	ssyncadd.s32 $0xFFFFEC00  }
0x2d: {  	[spmem:s2] =	stream.indirect.scatter.add.f32 [tilespmem:s17], [sflag:$0x2], $0x40, s20, s14, $0xb8;
	[tilespmem:$0x11620] =	vst v63  }
0x2e: {  	_ =	swait.ge [sflag:s10], $0x1400  }
0x2f: {  	s21 =	smov.u32 s24;
	s20 =	sshra.s32 s23, $0x2;
	[sflag:s10] =	ssyncset.done $0x0  }
0x30: {  	s21 =	sadd.s32 $0x2710, s20;
	[sflag:s10] =	ssyncadd.s32 $0xFFFFEC00  }
0x31: {  	[spmem:s2] =	stream.indirect.scatter.add.f32 [tilespmem:s15], [sflag:$0x2], $0x40, s21, s14, $0xb8;
	[tilespmem:$0x11620] =	vst v63  }
0x32: {  	_ =	swait.ge [sflag:s10], $0x1400  }
0x33: {  	[sflag:s10] =	ssyncset.done $0x0  }
0x34: {  	s31 =	sadd.s32 $0x2760, s20;
	[sflag:s10] =	ssyncadd.s32 $0xFFFFEC00  }
0x35: {  	[spmem:s2] =	stream.indirect.scatter.add.f32 [tilespmem:s17], [sflag:$0x2], $0x40, s31, s14, $0xb8;
	[tilespmem:$0x11620] =	vst v63  }
0x36: {  	_ =	swait.ge [sflag:s10], $0x1400  }
0x37: {  	[sflag:s10] =	ssyncset.done $0x0  }
0x38: {  	[sflag:s10] =	ssyncadd.s32 $0xFFFFEC00  }
0x39: {  	[spmem:s2] =	stream.indirect.scatter.add.f32 [tilespmem:s15], [sflag:$0x2], $0x40, s18, s14, $0xb8;
	[tilespmem:$0x11620] =	vst v63  }
0x3a: {  	_ =	swait.ge [sflag:s10], $0x1400  }
0x3b: {  	s19 =	sadd.s32 $0x1, s19;
	[sflag:s10] =	ssyncset.done $0x0  }
0x3c: {  	p0 =	sne.s32 s19, s9;
	[sflag:s10] =	ssyncadd.s32 $0xFFFFEC00  }
.Ltmp1:
0x3d: {  	[bflag:$0x0] =	sbarrier.arrive $0xFFFF;
	(pc) =	sbr.rel @p0 .LBB2_1-.Ltmp1, $4  }
0x3e: {  	[hbm:s8], [sflag:s12] =	dma.local [spmem:s13], $0xA00  }
0x3f: {  	_ =	swait.ge [sflag:s10], $0xA00  }
0x40: {  	[sflag:s10] =	ssyncset.done $0x0  }
0x41: {  	[sflag:s10] =	ssyncadd.s32 $0xFFFFF600  }
0x42: {  	_ =	sfence.sel $0x180000  }
0x43: {  	[bflag:$0x0] =	sbarrier.arrive $0xFFFF  }
0x44: {  	p0 =	sne.s32 s0, $0x0;
	_ =	strace $0x9000004D  }
0x45: {  	s0 =	sadd.s32 @!p0 $0x100000, s1;
	[bflag:$0x2] =	sbarrier.arrive $0xFFFF  }
0x46: {  	[sflag:s0] =	ssyncadd.tile.s32 @!p0 $0x1;
	_ =	shalt  }
.Lfunc_end2:
_tile_overlayer_lowered:
.L_overlay_start_2:
0x47: {  	(tag) =	ssettag $0x2  }
0x48: {  	s0 =	rddreg [dreg:$0x0];
	s2 =	stileid.u32  }
0x49: {  	s1 =	rddreg [dreg:$0x1];
	p0 =	sne.s32 s2, $0x0  }
0x4a: {  	s3 =	rddreg [dreg:$0x2];
	[bflag:$0x3] =	sbarrier.arrive $0xFFFF;
	s2 =	simm.s32 @!p0 $0x1C02  }
0x4b: {  	[timem:s3], [sflag:s2] =	dma.local @!p0 [hbm:s0], s1  }
0x4c: {  	s0 =	simm.s32 @!p0 $0x2  }
0x4d: {  	_ =	swait.ge @!p0 [sflag:s0], s1  }
0x4e: {  	s1 =	ssub.s32 @!p0 $0x0, s1;
	[sflag:s0] =	ssyncset.done @!p0 $0x0  }
0x4f: {  	[sflag:s0] =	ssyncadd.s32 @!p0 s1  }
0x50: {  	[bflag:$0x3] =	sbarrier.arrive $0xFFFF  }
0x51: {  	_ =	shalt  }

// kernel: kernel.20.cloned.1.call-start
scs
__scs_entry_jumppad:
0x0: {  	(pc) =	sbr.rel $0x88, $3  }
0x1: {  	(tag) =	ssettag $0x0;
	lr =	simm.s32 $0x1  }
0x2: {  	[smem:$0x3F97] =	sst lr;
	_ =	strace $0xD0000000  }
0x3: {  	_ = 	snop  }
0x4: {  	_ = 	snop  }
0x5: {  	_ = 	snop  }
0x6: {  	_ = 	snop  }
0x7: {  	_ = 	snop  }
__scs_overlays_trampoline_lowered:
0x8: {  	[smem:$0x3FA6] =	sst s0  }
0x9: {  	[smem:$0x3FA7] =	sst s1  }
0xa: {  	[smem:$0x3FA8] =	sst s2  }
0xb: {  	[smem:$0x3FA9] =	sst s3  }
0xc: {  	[smem:$0x3FAA] =	sst s4  }
0xd: {  	[smem:$0x3FAB] =	sst s5  }
0xe: {  	[smem:$0x3FAC] =	sst s6  }
0xf: {  	[smem:$0x3FAD] =	sst s7  }
0x10: {  	[smem:$0x3FAE] =	sst s8  }
0x11: {  	[smem:$0x3FAF] =	sst s9;
	s0 =	simm.s32 @!p0 $0x0  }
0x12: {  	s1 =	sld [smem:$0x3F95];
	s0 =	simm.s32 @p0 $0x1  }
0x13: {  	[smem:$0x3FB0] =	sst s0;
	s0 =	simm.s32 @!p1 $0x0  }
0x14: {  	s2 =	sld [smem:$0x3F94];
	s0 =	simm.s32 @p1 $0x1  }
0x15: {  	[smem:$0x3FB1] =	sst s0;
	s0 =	simm.s32 @!p2 $0x0  }
0x16: {  	s3 =	sld [smem:$0x3FDB];
	s0 =	simm.s32 @p2 $0x1  }
0x17: {  	s4 =	simm.s32 $0x1BF5;
	[smem:$0x3FB3] =	sst s0  }
0x18: {  	s0 =	sld [smem:$0x3F96];
	_ =	swait.ge [sflag:s4], $0x0  }
0x19: {  	s7 =	sld [smem:$0x3F97]  }
0x1a: {  	s8 =	sadd.s32 $0xFFFFE003, lr  }
0x1b: {  	s9 =	sadd.s32 $0xFFFFFEF7, lr;
	s5 =	simm.s32 $0xFFFFFFFF;
	p2 =	slt.u32 s8, $0xFFFFF086  }
0x1c: {  	p1 =	slt.u32 s9, $0xF7A;
	s5 =	simm.s32 @!p2 $0x0  }
0x1d: {  	s5 =	simm.s32 @p1 $0x1;
	p0 =	seq.s32 s7, s2  }
0x1e: {  	s7 =	smul.u32 @!p0 $0xF7A, s2;
	p2 =	seq.s32 @!p0 s5, $0x0  }
0x1f: {  	s9 =	smul.u32 $0xF7A, s1;
	s8 =	simm.s32 @!p0 $0x1BF5;
	p2 =	por !p2, p0  }
0x20: {  	[sflag:s8] =	ssyncset.s32 @!p0 $0xFFFFF086;
	s6 =	sadd.s32 @!p0 s3, s7;
	s7 =	simm.s32 @!p0 $0x108  }
0x21: {  	s3 =	sadd.s32 s3, s9;
	s6 =	sadd.s32 @!p0 $0x88, s6;
	s7 =	simm.s32 @p2 $0x1082  }
0x22: {  	[simem:s7], [sflag:s8] =	dma.local @!p0 [hbm:s6], $0xF7A  }
0x23: {  	s9 =	sor.u32 $0xD0000000, s2;
	s6 =	simm.s32 $0x108;
	_ =	swait.ge @!p0 [sflag:s8], $0x0  }
0x24: {  	s3 =	sadd.s32 $0x88, s3;
	s6 =	simm.s32 @!p1 $0x1082;
	[sflag:s4] =	ssyncset.s32 $0xFFFFF086  }
0x25: {  	[simem:s6], [sflag:s4] =	dma.local [hbm:s3], $0xF7A  }
0x26: {  	[smem:$0x3F97] =	sst s1;
	(tag) =	ssettag s2;
	_ =	strace s9  }
0x27: {  	s1 =	sld [smem:$0x3FA7]  }
0x28: {  	s2 =	sld [smem:$0x3FA8]  }
0x29: {  	s4 =	sld [smem:$0x3FAA]  }
0x2a: {  	p0 =	seq.s32 s5, $0x0;
	s5 =	sld [smem:$0x3FAB]  }
0x2b: {  	s6 =	sld [smem:$0x3FAC]  }
0x2c: {  	s7 =	sld [smem:$0x3FAD]  }
0x2d: {  	s3 =	simm.s32 $0x108;
	s8 =	sld [smem:$0x3FAE]  }
0x2e: {  	s3 =	simm.s32 @!p0 $0x1082;
	s9 =	sld [smem:$0x3FAF]  }
0x2f: {  	lr =	sadd.s32 s0, s3;
	s0 =	sld [smem:$0x3FA6]  }
0x30: {  	s3 =	sld [smem:$0x3FA9]  }
0x31: {  	[smem:$0x3FB2] =	sst s10  }
0x32: {  	s10 =	sld [smem:$0x3FB0];
	_ =	sdelay $0x3  }
0x33: {  	p0 =	seq.s32 s10, $0x1;
	s10 =	sld [smem:$0x3FB2];
	_ =	sdelay $0x3  }
0x34: {  	[smem:$0x3FB2] =	sst s10  }
0x35: {  	s10 =	sld [smem:$0x3FB1];
	_ =	sdelay $0x3  }
0x36: {  	p1 =	seq.s32 s10, $0x1;
	s10 =	sld [smem:$0x3FB2];
	_ =	sdelay $0x3  }
0x37: {  	[smem:$0x3FB2] =	sst s10  }
0x38: {  	s10 =	sld [smem:$0x3FB3]  }
0x39: {  	_ = 	snop;
	(pc) =	sbr.ind lr, $3  }
0x3a: {  	_ = 	snop  }
0x3b: {  	_ = 	snop  }
0x3c: {  	p2 =	seq.s32 s10, $0x1;
	s10 =	sld [smem:$0x3FB2]  }
0x3d: {  	_ =	shalt  }
0x3e: {  	_ =	shalt  }
0x3f: {  	_ =	shalt  }
0x40: {  	_ =	shalt  }
0x41: {  	_ =	shalt  }
0x42: {  	_ =	shalt  }
0x43: {  	_ =	shalt  }
0x44: {  	_ =	shalt  }
0x45: {  	_ =	shalt  }
0x46: {  	_ =	shalt  }
0x47: {  	_ =	shalt  }
0x48: {  	_ =	shalt  }
0x49: {  	_ =	shalt  }
0x4a: {  	_ =	shalt  }
0x4b: {  	_ =	shalt  }
0x4c: {  	_ =	shalt  }
0x4d: {  	_ =	shalt  }
0x4e: {  	_ =	shalt  }
0x4f: {  	_ =	shalt  }
0x50: {  	_ =	shalt  }
0x51: {  	_ =	shalt  }
0x52: {  	_ =	shalt  }
0x53: {  	_ =	shalt  }
0x54: {  	_ =	shalt  }
0x55: {  	_ =	shalt  }
0x56: {  	_ =	shalt  }
0x57: {  	_ =	shalt  }
0x58: {  	_ =	shalt  }
0x59: {  	_ =	shalt  }
0x5a: {  	_ =	shalt  }
0x5b: {  	_ =	shalt  }
0x5c: {  	_ =	shalt  }
0x5d: {  	_ =	shalt  }
0x5e: {  	_ =	shalt  }
0x5f: {  	_ =	shalt  }
0x60: {  	_ =	shalt  }
0x61: {  	_ =	shalt  }
0x62: {  	_ =	shalt  }
0x63: {  	_ =	shalt  }
0x64: {  	_ =	shalt  }
0x65: {  	_ =	shalt  }
0x66: {  	_ =	shalt  }
0x67: {  	_ =	shalt  }
0x68: {  	_ =	shalt  }
0x69: {  	_ =	shalt  }
0x6a: {  	_ =	shalt  }
0x6b: {  	_ =	shalt  }
0x6c: {  	_ =	shalt  }
0x6d: {  	_ =	shalt  }
0x6e: {  	_ =	shalt  }
0x6f: {  	_ =	shalt  }
0x70: {  	_ =	shalt  }
0x71: {  	_ =	shalt  }
0x72: {  	_ =	shalt  }
0x73: {  	_ =	shalt  }
0x74: {  	_ =	shalt  }
0x75: {  	_ =	shalt  }
0x76: {  	_ =	shalt  }
0x77: {  	_ =	shalt  }
0x78: {  	_ =	shalt  }
0x79: {  	_ =	shalt  }
0x7a: {  	_ =	shalt  }
0x7b: {  	_ =	shalt  }
0x7c: {  	_ =	shalt  }
0x7d: {  	_ =	shalt  }
0x7e: {  	_ =	shalt  }
0x7f: {  	_ =	shalt  }
0x80: {  	_ =	shalt  }
0x81: {  	_ =	shalt  }
0x82: {  	_ =	shalt  }
0x83: {  	_ =	shalt  }
0x84: {  	_ =	shalt  }
0x85: {  	_ =	shalt  }
0x86: {  	_ =	shalt  }
0x87: {  	_ =	shalt  }
.Lfunc_end0:
.L_simem_size_0:
called_computation.3_lowered:
.L_overlay_start_0:
0x88: {  	s2 =	sld [smem:$0x3FD9]  }
0x89: {  	s3 =	sld [smem:$0x3FFE];
	_ =	sdelay $0x1  }
0x8a: {  	s1 =	srdreg.scid  }
0x8b: {  	s0 =	sand.u32 $0x1, s1  }
0x8c: {  	s16 =	sshll.u32 s0, $0xA;
	s2 =	sadd.s32 s3, s2  }
0x8d: {  	s2 =	sadd.s32 s2, s16  }
0x8e: {  	[smem:$0x3FBE] =	sst s2  }
0x8f: {  	_ = 	snop  }
0x90: {  	(tm) =	ssettm $0x1  }
0x91: {  	s17 =	sld [smem:$0x3FFB];
	_ =	sdelay $0x3  }
0x92: {  	_ =	strace s17  }
0x93: {  	s2 =	sld [smem:$0x3FFC];
	_ =	sdelay $0x3  }
0x94: {  	_ =	strace s2  }
0x95: {  	s2 =	sld [smem:$0x3FFD];
	_ =	sdelay $0x3  }
0x96: {  	_ =	strace s2  }
0x97: {  	_ =	strace $0x8FFFFFFF  }
0x98: {  	s18 =	sld [smem:$0x3FDB];
	_ =	sdelay $0x1  }
0x99: {  	s19 =	simm.s32 $_scs_section_size  }
0x9a: {  	s4 =	simm.s32 $_size__tile_overlayer_lowered;
	s5 =	simm.s32 $_tile_overlayer_lowered  }
0x9b: {  	s22 =	simm.s32 $0x1BFF;
	s21 =	sshll.u32 s5, $0x1;
	s2 =	sadd.s32 s19, s18  }
0x9c: {  	s6 =	simm.s32 $0x0;
	s20 =	sshll.u32 s4, $0x1;
	s4 =	sadd.s32 s21, s2  }
0x9d: {  	[timem:s6], [sflag:s22] =	dma.local [hbm:s4], s20  }
0x9e: {  	_ =	swait.ge [sflag:s22], s20  }
0x9f: {  	s3 =	ssub.s32 $0x0, s20;
	[sflag:s22] =	ssyncset.done $0x0  }
0xa0: {  	[sflag:s22] =	ssyncadd.s32 s3;
	_ =	sdelay $0x1  }
0xa1: {  	s23 =	simm.s32 $0x1B8B  }
0xa2: {  	_ =	swait.ge [sflag:s23], $0x1  }
0xa3: {  	[sflag:s23] =	ssyncset.done $0x0  }
0xa4: {  	s25 =	simm.s32 $0x1B8E;
	s24 =	sld [smem:$0x3FFE];
	[sflag:s23] =	ssyncadd.s32 $0xFFFFFFFF  }
0xa5: {  	s26 =	simm.s32 $execute0_lowered;
	[smem:$0x3FD2] =	sst s25  }
0xa6: {  	s4 =	sshll.u32 s26, $0x1;
	_ =	strace $0x8000004F;
	[dreg:$0x1] =	wrdreg $0xFFFFFFFF  }
0xa7: {  	s28 =	simm.s32 $_size_execute0_lowered;
	s2 =	sadd.s32 s2, s4;
	[dreg:$0x0] =	wrdreg $0x0  }
0xa8: {  	s4 =	sshll.u32 s28, $0x1;
	[dreg:$0x2] =	wrdreg s2  }
0xa9: {  	[dreg:$0x3] =	wrdreg s4  }
0xaa: {  	[dreg:$0x4] =	wrdreg $0xC0  }
0xab: {  	_ =	task [dreg:s6], $0x5FFFF  }
0xac: {  	[dreg:$0x1] =	wrdreg $0xFFFFFFFF  }
0xad: {  	[dreg:$0x0] =	wrdreg $0x60  }
0xae: {  	[dreg:$0x2] =	wrdreg s24  }
0xaf: {  	[dreg:$0x3] =	wrdreg $0x76200  }
0xb0: {  	[dreg:$0x4] =	wrdreg $0x9  }
0xb1: {  	_ =	task.clear_ibuf [dreg:s6], $0x5FFFF;
	_ =	strace $0x9000004F  }
0xb2: {  	s29 =	simm.s32 $0x9;
	_ =	strace $0x80000051  }
0xb3: {  	_ =	swait.ge [sflag:s29], $0x1  }
0xb4: {  	[sflag:s29] =	ssyncadd.s32 $0xFFFFFFFF  }
0xb5: {  	_ =	strace $0x90000051  }
0xb6: {  	_ =	sfence  }
0xb7: {  	s30 =	sld [smem:$0x0];
	_ =	sdelay $0x2  }
0xb8: {  	s31 =	sshll.u32 s1, $0xD;
	s1 =	sshrl.u32 s1, $0x2  }
0xb9: {  	s3 =	sand.u32 $0x4000, s31;
	s1 =	sadd.s32 s1, s30  }
0xba: {  	s0 =	sor.u32 s3, s0;
	s1 =	sshll.u32 s1, $0x11  }
0xbb: {  	s0 =	sor.u32 s1, s0  }
0xbc: {  	s0 =	sadd.s32 $0x8F2B, s0  }
0xbd: {  	[sflag:s0] =	ssyncadd.remote.s32 $0x1  }
0xbe: {  	_ =	sfence.sel $0xFFFF  }
0xbf: {  	[dreg:$0x0] =	wrdreg $0xFFFFFFFF;
	(pc) =	sbr.abs _section_cstart, $3  }
0xc0: {  	[dreg:$0x1] =	wrdreg $0xFFFFFFFF  }
0xc1: {  	_ =	task.clear_ibuf [dreg:s6], $0x2FFFF;
	_ =	strace $0x9FFFFFFF  }
0xc2: {  	(tm) =	ssettm $0x7FFFFFFF  }
0xc3: {  	_ =	shalt  }
tec
execute0_lowered:
.L_overlay_start_1:
0x0: {  	(tag) =	ssettag $0x1  }
0x1: {  	s6 =	rddreg [dreg:$0x0]  }
0x2: {  	s0 =	srdreg.scid;
	s2 =	rddreg [dreg:$0x1]  }
0x3: {  	s3 =	simm.s32 $0x0;
	s14 =	simm.s32 $0x50;
	s15 =	simm.s32 $0x4E20  }
0x4: {  	s16 =	simm.s32 $0x1;
	s17 =	simm.s32 $0x6220;
	s18 =	simm.s32 $0x4DD0  }
0x5: {  	s19 =	simm.s32 $0x0;
	s5 =	sand.u32 $0x1, s0;
	s0 =	stileid.u32  }
0x6: {  	[smem:$0x7FF] =	sst s3;
	s4 =	sadd.s32 $0x15800, s6;
	s8 =	smul.u32 $0x5000, s0  }
0x7: {  	s1 =	sshll.u32 s5, $0x4;
	s9 =	smul.u32 $0xA0000, s5;
	s10 =	ssub.s32 $0x2, s5  }
0x8: {  	s5 =	sadd.s32 $0x29800, s6;
	s12 =	sshll.u32 s0, $0x6;
	s1 =	sor.u32 s0, s1  }
0x9: {  	s11 =	sshrl.u32 s10, $0x1;
	s12 =	sor.u32 $0x1C02, s12;
	s7 =	smul.u32 $0x4E2, s1  }
0xa: {  	s1 =	rddreg [dreg:$0x2];
	_ =	strace $0x80000050;
	s9 =	sadd.s32 s8, s9  }
0xb: {  	s10 =	ssub.s32 s10, s11;
	s13 =	sadd.s32 s8, s2;
	s11 =	simm.s32 $0x2710  }
0xc: {  	s9 =	sshrl.u32 s9, $0x3;
	s13 =	sshrl.u32 s13, $0x3;
	s7 =	sadd.s32 s7, s6  }
0xd: {  	s9 =	sadd.s32 s9, s6;
	s6 =	sadd.s32 $0x1C00, s7;
	s7 =	sadd.s32 $0xBA00, s7  }
0xe: {  	s8 =	sadd.s32 $0x2A200, s9;
	s9 =	smax.u32 s10, $0x1;
	s10 =	simm.s32 $0x2  }
.LBB2_1:
0xf: {  	[tilespmem:s3], [sflag:$0x2] =	stream.linear.gather [hbm4b:s6+s3], $0x2710, $0x38;
	[tilespmem:$0x11620] =	vst v63  }
0x10: {  	_ =	swait.ge [sflag:s10], $0x2710  }
0x11: {  	[sflag:s10] =	ssyncset.done $0x0  }
0x12: {  	[sflag:s10] =	ssyncadd.s32 $0xFFFFD8F0  }
0x13: {  	[tilespmem:s11], [sflag:$0x2] =	stream.linear.gather [hbm4b:s7+s3], $0x2710, $0x38;
	[tilespmem:$0x11620] =	vst v63  }
0x14: {  	_ =	swait.ge [sflag:s10], $0x2710  }
0x15: {  	[sflag:s10] =	ssyncset.done $0x0  }
0x16: {  	[sflag:s10] =	ssyncadd.s32 $0xFFFFD8F0  }
0x17: {  	[spmem:s13], [sflag:s12] =	dma.local [hbm:s5], $0xA00  }
0x18: {  	_ =	swait.ge [sflag:s10], $0xA00  }
0x19: {  	[sflag:s10] =	ssyncset.done $0x0  }
0x1a: {  	[sflag:s10] =	ssyncadd.s32 $0xFFFFF600  }
0x1b: {  	[bflag:$0x0] =	sbarrier.arrive $0xFFFF  }
0x1c: {  	[tilespmem:s15], [sflag:$0x1] =	stream.indirect.gather [hbm4b:s4+s14], $0x40, s3, s14, $0xb8;
	[tilespmem:$0x11620] =	vst v63  }
0x1d: {  	_ =	swait.ge [sflag:s16], $0x1400  }
0x1e: {  	[sflag:s16] =	ssyncset.done $0x0  }
0x1f: {  	s20 =	simm.s32 $0x2710;
	[sflag:s16] =	ssyncadd.s32 $0xFFFFEC00  }
0x20: {  	[spmem:s2] =	stream.indirect.scatter.add.f32 [tilespmem:s15], [sflag:$0x2], $0x40, s20, s14, $0xb8;
	[tilespmem:$0x11620] =	vst v63  }
0x21: {  	_ =	swait.ge [sflag:s10], $0x1400  }
0x22: {  	[sflag:s10] =	ssyncset.done $0x0  }
0x23: {  	s31 =	simm.s32 $0x2760;
	[sflag:s10] =	ssyncadd.s32 $0xFFFFEC00  }
0x24: {  	[spmem:s2] =	stream.indirect.scatter.add.f32 [tilespmem:s17], [sflag:$0x2], $0x40, s31, s14, $0xb8;
	[tilespmem:$0x11620] =	vst v63  }
0x25: {  	_ =	swait.ge [sflag:s10], $0x1400  }
0x26: {  	s21 =	simm.s32 $0x500;
	s20 =	simm.s32 $0xA0;
	[sflag:s10] =	ssyncset.done $0x0  }
.LBB2_2:
0x27: {  	s22 =	sadd.s32 $0x2710, s20  }
0x28: {  	[sflag:s10] =	ssyncadd.s32 $0xFFFFEC00;
	s23 =	smov.u32 s21;
	s24 =	sadd.s32 $0x280, s21  }
0x29: {  	[spmem:s2] =	stream.indirect.scatter.add.f32 [tilespmem:s15], [sflag:$0x2], $0x40, s22, s14, $0xb8;
	[tilespmem:$0x11620] =	vst v63  }
0x2a: {  	p0 =	sne.s32 s21, $0x9880;
	_ =	swait.ge [sflag:s10], $0x1400  }
.Ltmp0:
0x2b: {  	[sflag:s10] =	ssyncset.done $0x0;
	(pc) =	sbr.rel @p0 .LBB2_2-.Ltmp0, $4  }
0x2c: {  	s20 =	sadd.s32 $0x2760, s20;
	[sflag:s10] =	ssyncadd.s32 $0xFFFFEC00  }
0x2d: {  	[spmem:s2] =	stream.indirect.scatter.add.f32 [tilespmem:s17], [sflag:$0x2], $0x40, s20, s14, $0xb8;
	[tilespmem:$0x11620] =	vst v63  }
0x2e: {  	_ =	swait.ge [sflag:s10], $0x1400  }
0x2f: {  	s21 =	smov.u32 s24;
	s20 =	sshra.s32 s23, $0x2;
	[sflag:s10] =	ssyncset.done $0x0  }
0x30: {  	s21 =	sadd.s32 $0x2710, s20;
	[sflag:s10] =	ssyncadd.s32 $0xFFFFEC00  }
0x31: {  	[spmem:s2] =	stream.indirect.scatter.add.f32 [tilespmem:s15], [sflag:$0x2], $0x40, s21, s14, $0xb8;
	[tilespmem:$0x11620] =	vst v63  }
0x32: {  	_ =	swait.ge [sflag:s10], $0x1400  }
0x33: {  	[sflag:s10] =	ssyncset.done $0x0  }
0x34: {  	s31 =	sadd.s32 $0x2760, s20;
	[sflag:s10] =	ssyncadd.s32 $0xFFFFEC00  }
0x35: {  	[spmem:s2] =	stream.indirect.scatter.add.f32 [tilespmem:s17], [sflag:$0x2], $0x40, s31, s14, $0xb8;
	[tilespmem:$0x11620] =	vst v63  }
0x36: {  	_ =	swait.ge [sflag:s10], $0x1400  }
0x37: {  	[sflag:s10] =	ssyncset.done $0x0  }
0x38: {  	[sflag:s10] =	ssyncadd.s32 $0xFFFFEC00  }
0x39: {  	[spmem:s2] =	stream.indirect.scatter.add.f32 [tilespmem:s15], [sflag:$0x2], $0x40, s18, s14, $0xb8;
	[tilespmem:$0x11620] =	vst v63  }
0x3a: {  	_ =	swait.ge [sflag:s10], $0x1400  }
0x3b: {  	s19 =	sadd.s32 $0x1, s19;
	[sflag:s10] =	ssyncset.done $0x0  }
0x3c: {  	p0 =	sne.s32 s19, s9;
	[sflag:s10] =	ssyncadd.s32 $0xFFFFEC00  }
.Ltmp1:
0x3d: {  	[bflag:$0x0] =	sbarrier.arrive $0xFFFF;
	(pc) =	sbr.rel @p0 .LBB2_1-.Ltmp1, $4  }
0x3e: {  	[hbm:s8], [sflag:s12] =	dma.local [spmem:s13], $0xA00  }
0x3f: {  	_ =	swait.ge [sflag:s10], $0xA00  }
0x40: {  	[sflag:s10] =	ssyncset.done $0x0  }
0x41: {  	[sflag:s10] =	ssyncadd.s32 $0xFFFFF600  }
0x42: {  	_ =	sfence.sel $0x180000  }
0x43: {  	[bflag:$0x0] =	sbarrier.arrive $0xFFFF  }
0x44: {  	p0 =	sne.s32 s0, $0x0;
	_ =	strace $0x90000050  }
0x45: {  	s0 =	sadd.s32 @!p0 $0x100000, s1;
	[bflag:$0x2] =	sbarrier.arrive $0xFFFF  }
0x46: {  	[sflag:s0] =	ssyncadd.tile.s32 @!p0 $0x1;
	_ =	shalt  }
.Lfunc_end2:
_tile_overlayer_lowered:
.L_overlay_start_2:
0x47: {  	(tag) =	ssettag $0x2  }
0x48: {  	s0 =	rddreg [dreg:$0x0];
	s2 =	stileid.u32  }
0x49: {  	s1 =	rddreg [dreg:$0x1];
	p0 =	sne.s32 s2, $0x0  }
0x4a: {  	s3 =	rddreg [dreg:$0x2];
	[bflag:$0x3] =	sbarrier.arrive $0xFFFF;
	s2 =	simm.s32 @!p0 $0x1C02  }
0x4b: {  	[timem:s3], [sflag:s2] =	dma.local @!p0 [hbm:s0], s1  }
0x4c: {  	s0 =	simm.s32 @!p0 $0x2  }
0x4d: {  	_ =	swait.ge @!p0 [sflag:s0], s1  }
0x4e: {  	s1 =	ssub.s32 @!p0 $0x0, s1;
	[sflag:s0] =	ssyncset.done @!p0 $0x0  }
0x4f: {  	[sflag:s0] =	ssyncadd.s32 @!p0 s1  }
0x50: {  	[bflag:$0x3] =	sbarrier.arrive $0xFFFF  }
0x51: {  	_ =	shalt  }

</sc_bundles>
